<compile_context>
chip_gen: v7x
topology: tpu7x:2x2x1
jax: 0.10.2.dev20260603
libtpu: 0.0.44.dev20260713+nightly
codegen_flags: <defaults>
</compile_context>

<pallas_src>
import functools

import jax
import jax.numpy as jnp
from jax import lax
from jax.experimental import pallas as pl
from jax.experimental.pallas import tpu as pltpu
from jax.experimental.pallas import tpu_sc as plsc

N = 10000
E = 320000
D = 128

NTILE = 16
NCORE = 2
NWORK = NTILE * NCORE

NPAD = 10240
ROWB = 1280
NBLK = NPAD // ROWB
ROWS_PT = NPAD // NTILE

CHUNK = 128
EPT = 10112
NCHUNK = EPT // CHUNK
EPAD = NWORK * EPT

_BN_C = (1.0 + 1e-5) ** -0.5



_sc_mesh = plsc.VectorSubcoreMesh(core_axis_name="c", subcore_axis_name="s")


@functools.partial(
    pl.kernel,
    mesh=_sc_mesh,
    out_type=jax.ShapeDtypeStruct((NCORE, NPAD), jnp.float32),
    scratch_types=[
        pltpu.VMEM((CHUNK,), jnp.int32),
        pltpu.VMEM((CHUNK,), jnp.float32),
        pltpu.VMEM((ROWS_PT,), jnp.float32),
        pltpu.VMEM_SHARED((NPAD,), jnp.float32),
    ],
)
def _deg_kernel(dst_hbm, out_hbm, idx_v, ones_v, zrow_v, acc):
    c = lax.axis_index("c")
    s = lax.axis_index("s")
    w = c * NTILE + s

    for j in range(CHUNK // 16):
        ones_v[pl.ds(j * 16, 16)] = jnp.ones((16,), jnp.float32)

    def _zero(i, carry):
        zrow_v[pl.ds(i * 16, 16)] = jnp.zeros((16,), jnp.float32)
        return carry

    lax.fori_loop(0, ROWS_PT // 16, _zero, 0)
    pltpu.sync_copy(zrow_v, acc.at[pl.ds(s * ROWS_PT, ROWS_PT)])
    plsc.subcore_barrier()

    def _step(k, carry):
        eoff = pl.multiple_of(w * EPT + k * CHUNK, CHUNK)
        pltpu.sync_copy(dst_hbm.at[pl.ds(eoff, CHUNK)], idx_v)
        pltpu.sync_copy(ones_v, acc.at[idx_v], add=True)
        return carry

    lax.fori_loop(0, NCHUNK, _step, 0)
    plsc.subcore_barrier()
    pltpu.sync_copy(acc.at[pl.ds(s * ROWS_PT, ROWS_PT)],
                    out_hbm.at[c, pl.ds(s * ROWS_PT, ROWS_PT)])


@functools.partial(
    pl.kernel,
    mesh=_sc_mesh,
    out_type=jax.ShapeDtypeStruct((NCORE, NPAD, D), jnp.float32),
    scratch_types=[
        pltpu.VMEM((CHUNK,), jnp.int32),
        pltpu.VMEM((CHUNK,), jnp.int32),
        pltpu.VMEM((CHUNK, D), jnp.float32),
        pltpu.VMEM_SHARED((NPAD, D), jnp.float32),
        pltpu.SemaphoreType.DMA,
    ],
)
def _edge_kernel(g_hbm, src_hbm, dst_hbm, out_hbm, src_v, dst_v, rows_v, acc, sem):
    c = lax.axis_index("c")
    s = lax.axis_index("s")
    w = c * NTILE + s

    def _zero(t, carry):
        i = t // (D // 16)
        j = t % (D // 16)
        rows_v[i, pl.ds(j * 16, 16)] = jnp.zeros((16,), jnp.float32)
        return carry

    lax.fori_loop(0, CHUNK * (D // 16), _zero, 0)
    for j in range(ROWS_PT // CHUNK):
        pltpu.sync_copy(rows_v, acc.at[pl.ds(s * ROWS_PT + j * CHUNK, CHUNK)])
    plsc.subcore_barrier()

    def _step(k, carry):
        eoff = pl.multiple_of(w * EPT + k * CHUNK, CHUNK)
        pltpu.sync_copy(src_hbm.at[pl.ds(eoff, CHUNK)], src_v)
        pltpu.sync_copy(dst_hbm.at[pl.ds(eoff, CHUNK)], dst_v)
        pltpu.async_copy(g_hbm.at[src_v], rows_v, sem).wait()
        pltpu.sync_copy(rows_v, acc.at[dst_v], add=True)
        return carry

    lax.fori_loop(0, NCHUNK, _step, 0)
    plsc.subcore_barrier()
    pltpu.sync_copy(acc.at[pl.ds(s * ROWS_PT, ROWS_PT)],
                    out_hbm.at[c, pl.ds(s * ROWS_PT, ROWS_PT)])



def _dense0_body(x_ref, p0_ref, p1_ref, w0, b0, n0g, n0b, w1, b1, n1g, n1b,
                 wc0, g0_ref, dinv_ref):
    dinv = lax.rsqrt(p0_ref[...] + p1_ref[...] + 1.0)
    h = jnp.dot(x_ref[...], w0[...], preferred_element_type=jnp.float32) + b0[...]
    h = jnp.maximum(h * n0g[...] + n0b[...], 0.0)
    h = jnp.dot(h, w1[...], preferred_element_type=jnp.float32) + b1[...]
    h = jnp.maximum(h * n1g[...] + n1b[...], 0.0)
    g0_ref[...] = jnp.dot(h, wc0[...], preferred_element_type=jnp.float32) * dinv
    dinv_ref[...] = dinv


def _mid_body(p0, p1, g, dinv, bc, ng, nb, wn, gn_ref):
    z = (p0[...] + p1[...] + g[...]) * dinv[...] + bc[...]
    h = jnp.maximum(z * ng[...] + nb[...], 0.0)
    gn_ref[...] = jnp.dot(h, wn[...], preferred_element_type=jnp.float32) * dinv[...]


def _final_body(p0, p1, g, dinv, bc, out_ref):
    t = (p0[...] + p1[...] + g[...]) * dinv[...] + bc[...]
    m = jnp.max(t, axis=1, keepdims=True)
    lse = jnp.log(jnp.sum(jnp.exp(t - m), axis=1, keepdims=True)) + m
    out_ref[...] = t - lse


def _row_spec():
    return pl.BlockSpec((ROWB, D), lambda i: (i, 0))


def _col_spec():
    return pl.BlockSpec((ROWB, 1), lambda i: (i, 0))


def _w_spec():
    return pl.BlockSpec((D, D), lambda i: (0, 0))


def _v_spec():
    return pl.BlockSpec((1, D), lambda i: (0, 0))


def _dense0(xp, p0, p1, w0, b0, n0g, n0b, w1, b1, n1g, n1b, wc0):
    return pl.pallas_call(
        _dense0_body,
        grid=(NBLK,),
        in_specs=[_row_spec(), _col_spec(), _col_spec(),
                  _w_spec(), _v_spec(), _v_spec(), _v_spec(),
                  _w_spec(), _v_spec(), _v_spec(), _v_spec(),
                  _w_spec()],
        out_specs=[_row_spec(), _col_spec()],
        out_shape=[jax.ShapeDtypeStruct((NPAD, D), jnp.float32),
                   jax.ShapeDtypeStruct((NPAD, 1), jnp.float32)],
    )(xp, p0, p1, w0, b0, n0g, n0b, w1, b1, n1g, n1b, wc0)


def _mid(p0, p1, g, dinv, bc, ng, nb, wn):
    return pl.pallas_call(
        _mid_body,
        grid=(NBLK,),
        in_specs=[_row_spec(), _row_spec(), _row_spec(), _col_spec(),
                  _v_spec(), _v_spec(), _v_spec(), _w_spec()],
        out_specs=_row_spec(),
        out_shape=jax.ShapeDtypeStruct((NPAD, D), jnp.float32),
    )(p0, p1, g, dinv, bc, ng, nb, wn)


def _final(p0, p1, g, dinv, bc):
    return pl.pallas_call(
        _final_body,
        grid=(NBLK,),
        in_specs=[_row_spec(), _row_spec(), _row_spec(), _col_spec(),
                  _v_spec()],
        out_specs=_row_spec(),
        out_shape=jax.ShapeDtypeStruct((NPAD, D), jnp.float32),
    )(p0, p1, g, dinv, bc)



def kernel(x, edge_index, params):
    p = params
    src = edge_index[0]
    dst = edge_index[1]

    padn = EPAD - E
    ar = jnp.arange(padn, dtype=jnp.int32)
    srcp = jnp.concatenate([src, ar % N])
    dstp = jnp.concatenate([dst, N + (ar % (NPAD - N))])

    xp = jnp.zeros((NPAD, D), jnp.float32).at[:N].set(x)

    row = lambda v: v.reshape(1, D)
    b0 = row(p["lin0_b"])
    b1 = row(p["lin1_b"])
    n0g = row(p["bn0_g"] * _BN_C)
    n0b = row(p["bn0_b"])
    n1g = row(p["bn1_g"] * _BN_C)
    n1b = row(p["bn1_b"])
    n2g = row(p["bn2_g"] * _BN_C)
    n2b = row(p["bn2_b"])
    n3g = row(p["bn3_g"] * _BN_C)
    n3b = row(p["bn3_b"])
    bc0 = row(p["conv0_b"])
    bc1 = row(p["conv1_b"])
    bc2 = row(p["conv2_b"])

    degp = _deg_kernel(dstp)
    dp0 = degp[0][:, None]
    dp1 = degp[1][:, None]

    g0, dinv = _dense0(xp, dp0, dp1,
                       p["lin0_W"], b0, n0g, n0b,
                       p["lin1_W"], b1, n1g, n1b,
                       p["conv0_W"])

    s0 = _edge_kernel(g0, srcp, dstp)
    g1 = _mid(s0[0], s0[1], g0, dinv, bc0, n2g, n2b, p["conv1_W"])

    s1 = _edge_kernel(g1, srcp, dstp)
    g2 = _mid(s1[0], s1[1], g1, dinv, bc1, n3g, n3b, p["conv2_W"])

    s2 = _edge_kernel(g2, srcp, dstp)
    out = _final(s2[0], s2[1], g2, dinv, bc2)
    return out[:N]

# --- scband reference (transcript-rebuilt; emitter-appended) ---
"""Pipeline reference for scband-gcn-16363825397808 (READ-ONLY COPY).

The authoritative reference and input builder live on the scoring server;
editing this copy changes nothing except your own understanding.
"""

import jax, jax.numpy as jnp
import numpy as np

N = 10000
E = 320000
D = 128
H = 128
O = 128


def _glorot(k, shape):
    limit = float(np.sqrt(6.0 / (shape[0] + shape[1])))
    return jax.random.uniform(k, shape, minval=-limit, maxval=limit, dtype=jnp.float32)


def setup_inputs(seed: int = 0) -> dict:
    key = jax.random.key(seed)
    ks = jax.random.split(key, 12)
    x = jax.random.normal(ks[0], (N, D), dtype=jnp.float32)
    edge_index = jax.random.randint(ks[1], (2, E), 0, N, dtype=jnp.int32)
    params = {
        "lin0_W": _glorot(ks[2], (D, H)), "lin0_b": jnp.zeros((H,), jnp.float32),
        "lin1_W": _glorot(ks[3], (H, H)), "lin1_b": jnp.zeros((H,), jnp.float32),
        "bn0_g": jnp.ones((H,), jnp.float32), "bn0_b": jnp.zeros((H,), jnp.float32),
        "bn1_g": jnp.ones((H,), jnp.float32), "bn1_b": jnp.zeros((H,), jnp.float32),
        "bn2_g": jnp.ones((H,), jnp.float32), "bn2_b": jnp.zeros((H,), jnp.float32),
        "bn3_g": jnp.ones((H,), jnp.float32), "bn3_b": jnp.zeros((H,), jnp.float32),
        "conv0_W": _glorot(ks[4], (H, H)), "conv0_b": jnp.zeros((H,), jnp.float32),
        "conv1_W": _glorot(ks[5], (H, H)), "conv1_b": jnp.zeros((H,), jnp.float32),
        "conv2_W": _glorot(ks[6], (H, O)), "conv2_b": jnp.zeros((O,), jnp.float32),
    }
    return {"x": x, "edge_index": edge_index, "params": params}


def _bn_eval(h, g, b):
    # BatchNorm1d in eval mode with fresh running stats (mean=0, var=1), eps=1e-5
    return (h / jnp.sqrt(1.0 + 1e-5)) * g + b


def _gcn_conv(h, src, dst, W, b):
    n = h.shape[0]
    hw = h @ W
    loop = jnp.arange(n, dtype=src.dtype)
    s = jnp.concatenate([src, loop])
    d = jnp.concatenate([dst, loop])
    deg = jax.ops.segment_sum(jnp.ones(s.shape[0], jnp.float32), d, num_segments=n)
    dinv = jnp.where(deg > 0, jax.lax.rsqrt(deg), 0.0)
    norm = dinv[s] * dinv[d]
    msg = hw[s] * norm[:, None]
    out = jax.ops.segment_sum(msg, d, num_segments=n)
    return out + b


def reference(x, edge_index, params):
    src, dst = edge_index[0], edge_index[1]
    p = params
    h = jax.nn.relu(_bn_eval(x @ p["lin0_W"] + p["lin0_b"], p["bn0_g"], p["bn0_b"]))
    h = jax.nn.relu(_bn_eval(h @ p["lin1_W"] + p["lin1_b"], p["bn1_g"], p["bn1_b"]))
    h = jax.nn.relu(_bn_eval(_gcn_conv(h, src, dst, p["conv0_W"], p["conv0_b"]), p["bn2_g"], p["bn2_b"]))
    h = jax.nn.relu(_bn_eval(_gcn_conv(h, src, dst, p["conv1_W"], p["conv1_b"]), p["bn3_g"], p["bn3_b"]))
    h = _gcn_conv(h, src, dst, p["conv2_W"], p["conv2_b"])
    return jax.nn.log_softmax(h, axis=1)

if __name__ == "__main__":
    import jax
    _d = setup_inputs()
    print(jax.jit(kernel)(*tuple(_d.values())))

</pallas_src>

<mosaic_0001>
#map = affine_map<(d0, d1) -> (0, 0)>
#map1 = affine_map<(d0, d1) -> (0)>
#map2 = affine_map<(d0, d1) -> (0, 0, 0)>
module attributes {stable_mosaic.version = 14 : i64} {
  func.func @_edge_kernel(%arg0: i32, %arg1: i32, %arg2: memref<10240x128xf32, #tpu.memory_space<hbm>>, %arg3: memref<323584xi32, #tpu.memory_space<hbm>>, %arg4: memref<323584xi32, #tpu.memory_space<hbm>>, %arg5: memref<2x10240x128xf32, #tpu.memory_space<hbm>>, %arg6: memref<128xi32, #tpu.memory_space<vmem>>, %arg7: memref<128xi32, #tpu.memory_space<vmem>>, %arg8: memref<128x128xf32, #tpu.memory_space<vmem>>, %arg9: memref<10240x128xf32, #tpu.memory_space<vmem_shared>>, %arg10: memref<!tpu.dma_semaphore, #tpu.memory_space<semaphore_mem>>) attributes {dimension_semantics = [#tpu.dimension_semantics<core_parallel>, #tpu.dimension_semantics<subcore_parallel>], iteration_bounds = array<i64: 2, 16>, scalar_prefetch = 0 : i64, scratch_operands = 5 : i64, tpu.core_type = #tpu.core_type<sc_vector_subcore>, window_params = [{transform_indices = #map}, {transform_indices = #map1}, {transform_indices = #map1}, {transform_indices = #map2}]} {
    %mul3A = arith.constant 16 : i32
    %mul3A_0 = arith.muli %arg0, %mul3A : i32
    %add3A = arith.addi %mul3A_0, %arg1 : i32
    %scan3A = arith.constant 0 : i32
    %scan3A_1 = arith.constant 0 : i32
    %scan3A_2 = arith.constant 1024 : i32
    %scan3A_3 = arith.addi %scan3A_1, %scan3A_2 : i32
    %scan3A_4 = arith.constant 1 : i32
    scf.for %scan3A_37 = %scan3A_1 to %scan3A_3 step %scan3A_4  : i32 {
      %jit3A = arith.constant 8 : i32
      %div3A = arith.divsi %scan3A_37, %jit3A : i32
      %sign3A = arith.constant 0 : i32
      %sign3A_38 = arith.cmpi sgt, %scan3A_37, %sign3A : i32
      %sign3A_39 = arith.extui %sign3A_38 : i1 to i32
      %sign3A_40 = arith.constant 0 : i32
      %sign3A_41 = arith.cmpi slt, %scan3A_37, %sign3A_40 : i32
      %sign3A_42 = arith.extui %sign3A_41 : i1 to i32
      %sign3A_43 = arith.subi %sign3A_39, %sign3A_42 : i32
      %sign3A_44 = arith.constant 0 : i32
      %sign3A_45 = arith.cmpi sgt, %jit3A, %sign3A_44 : i32
      %sign3A_46 = arith.extui %sign3A_45 : i1 to i32
      %sign3A_47 = arith.constant 0 : i32
      %sign3A_48 = arith.cmpi slt, %jit3A, %sign3A_47 : i32
      %sign3A_49 = arith.extui %sign3A_48 : i1 to i32
      %sign3A_50 = arith.subi %sign3A_46, %sign3A_49 : i32
      %ne3A = arith.cmpi ne, %sign3A_43, %sign3A_50 : i32
      %rem3A = arith.remsi %scan3A_37, %jit3A : i32
      %ne3A_51 = arith.constant 0 : i32
      %ne3A_52 = arith.cmpi ne, %rem3A, %ne3A_51 : i32
      %and3A = arith.andi %ne3A, %ne3A_52 : i1
      %sub3A = arith.constant 1 : i32
      %sub3A_53 = arith.subi %div3A, %sub3A : i32
      %select_n3A = arith.select %and3A, %sub3A_53, %div3A : i32
      %jit3A_54 = arith.constant 8 : i32
      %eq3A = arith.constant 0 : i32
      %eq3A_55 = arith.cmpi eq, %jit3A_54, %eq3A : i32
      %jit3A_56 = arith.constant 1 : i32
      %select_n3A_57 = arith.select %eq3A_55, %jit3A_56, %jit3A_54 : i32
      %rem3A_58 = arith.remsi %scan3A_37, %select_n3A_57 : i32
      %ne3A_59 = arith.constant 0 : i32
      %ne3A_60 = arith.cmpi ne, %rem3A_58, %ne3A_59 : i32
      %lt3A = arith.constant 0 : i32
      %lt3A_61 = arith.cmpi slt, %rem3A_58, %lt3A : i32
      %lt3A_62 = arith.constant 0 : i32
      %lt3A_63 = arith.cmpi slt, %select_n3A_57, %lt3A_62 : i32
      %ne3A_64 = arith.xori %lt3A_61, %lt3A_63 : i1
      %and3A_65 = arith.andi %ne3A_64, %ne3A_60 : i1
      %add3A_66 = arith.addi %rem3A_58, %select_n3A_57 : i32
      %select_n3A_67 = arith.select %and3A_65, %add3A_66, %rem3A_58 : i32
      %broadcast_in_dim3A = arith.constant 0.000000e+00 : f32
      %broadcast_in_dim3A_68 = vector.broadcast %broadcast_in_dim3A : f32 to vector<16xf32>
      %mul3A_69 = arith.constant 16 : i32
      %mul3A_70 = arith.muli %select_n3A_67, %mul3A_69 : i32
      %swap3A = arith.index_cast %select_n3A : i32 to index
      %swap3A_71 = arith.index_cast %mul3A_70 : i32 to index
      %swap3A_72 = tpu.vector_load %arg8[%swap3A, %swap3A_71] {strides = array<i32>} : memref<128x128xf32, #tpu.memory_space<vmem>>, vector<1x16xf32>,
      %swap3A_73 = vector.shape_cast %swap3A_72 : vector<1x16xf32> to vector<16xf32>
      %swap3A_74 = vector.shape_cast %broadcast_in_dim3A_68 : vector<16xf32> to vector<1x16xf32>
      tpu.vector_store %arg8[%swap3A, %swap3A_71], %swap3A_74 {strides = array<i32>} : memref<128x128xf32, #tpu.memory_space<vmem>>, vector<1x16xf32>,
    }
    %scan3A_5 = arith.constant 1024 : i32
    %mul3A_6 = arith.constant 640 : i32
    %mul3A_7 = arith.muli %arg1, %mul3A_6 : i32
    %add3A_8 = arith.constant 0 : i32
    %add3A_9 = arith.addi %mul3A_7, %add3A_8 : i32
    "tpu.region"() ({
      %run_scoped3A = tpu.sem_alloc : memref<!tpu.dma_semaphore, #tpu.memory_space<semaphore_mem>>
      %dma_start3A = arith.constant 0 : i32
      %dma_start3A_37 = tpu.memref_slice %arg9[%add3A_9, %dma_start3A] : memref<10240x128xf32, #tpu.memory_space<vmem_shared>> -> memref<128x128xf32, #tpu.memory_space<vmem_shared>>
      %dma_start3A_38 = arith.constant 0 : i32
      %dma_start3A_39 = tpu.memref_slice %arg9[%add3A_9, %dma_start3A_38] : memref<10240x128xf32, #tpu.memory_space<vmem_shared>> -> memref<128x128xf32, #tpu.memory_space<vmem_shared>>
      tpu.enqueue_dma source(%arg8 : memref<128x128xf32, #tpu.memory_space<vmem>>) target(%dma_start3A_39 : memref<128x128xf32, #tpu.memory_space<vmem_shared>>) target_semaphore(%run_scoped3A : memref<!tpu.dma_semaphore, #tpu.memory_space<semaphore_mem>>)
      %dma_wait3A = arith.constant 0 : i32
      %dma_wait3A_40 = tpu.memref_slice %arg9[%add3A_9, %dma_wait3A] : memref<10240x128xf32, #tpu.memory_space<vmem_shared>> -> memref<128x128xf32, #tpu.memory_space<vmem_shared>>
      %dma_wait3A_41 = arith.constant 0 : i32
      %dma_wait3A_42 = tpu.memref_slice %arg9[%add3A_9, %dma_wait3A_41] : memref<10240x128xf32, #tpu.memory_space<vmem_shared>> -> memref<128x128xf32, #tpu.memory_space<vmem_shared>>
      tpu.wait_dma2 semaphore(%run_scoped3A : memref<!tpu.dma_semaphore, #tpu.memory_space<semaphore_mem>>) src(%arg8 : memref<128x128xf32, #tpu.memory_space<vmem>>) dst(%dma_wait3A_42 : memref<128x128xf32, #tpu.memory_space<vmem_shared>>)
      tpu.yield
    }) : () -> ()
    %mul3A_10 = arith.constant 640 : i32
    %mul3A_11 = arith.muli %arg1, %mul3A_10 : i32
    %add3A_12 = arith.constant 128 : i32
    %add3A_13 = arith.addi %mul3A_11, %add3A_12 : i32
    "tpu.region"() ({
      %run_scoped3A = tpu.sem_alloc : memref<!tpu.dma_semaphore, #tpu.memory_space<semaphore_mem>>
      %dma_start3A = arith.constant 0 : i32
      %dma_start3A_37 = tpu.memref_slice %arg9[%add3A_13, %dma_start3A] : memref<10240x128xf32, #tpu.memory_space<vmem_shared>> -> memref<128x128xf32, #tpu.memory_space<vmem_shared>>
      %dma_start3A_38 = arith.constant 0 : i32
      %dma_start3A_39 = tpu.memref_slice %arg9[%add3A_13, %dma_start3A_38] : memref<10240x128xf32, #tpu.memory_space<vmem_shared>> -> memref<128x128xf32, #tpu.memory_space<vmem_shared>>
      tpu.enqueue_dma source(%arg8 : memref<128x128xf32, #tpu.memory_space<vmem>>) target(%dma_start3A_39 : memref<128x128xf32, #tpu.memory_space<vmem_shared>>) target_semaphore(%run_scoped3A : memref<!tpu.dma_semaphore, #tpu.memory_space<semaphore_mem>>)
      %dma_wait3A = arith.constant 0 : i32
      %dma_wait3A_40 = tpu.memref_slice %arg9[%add3A_13, %dma_wait3A] : memref<10240x128xf32, #tpu.memory_space<vmem_shared>> -> memref<128x128xf32, #tpu.memory_space<vmem_shared>>
      %dma_wait3A_41 = arith.constant 0 : i32
      %dma_wait3A_42 = tpu.memref_slice %arg9[%add3A_13, %dma_wait3A_41] : memref<10240x128xf32, #tpu.memory_space<vmem_shared>> -> memref<128x128xf32, #tpu.memory_space<vmem_shared>>
      tpu.wait_dma2 semaphore(%run_scoped3A : memref<!tpu.dma_semaphore, #tpu.memory_space<semaphore_mem>>) src(%arg8 : memref<128x128xf32, #tpu.memory_space<vmem>>) dst(%dma_wait3A_42 : memref<128x128xf32, #tpu.memory_space<vmem_shared>>)
      tpu.yield
    }) : () -> ()
    %mul3A_14 = arith.constant 640 : i32
    %mul3A_15 = arith.muli %arg1, %mul3A_14 : i32
    %add3A_16 = arith.constant 256 : i32
    %add3A_17 = arith.addi %mul3A_15, %add3A_16 : i32
    "tpu.region"() ({
      %run_scoped3A = tpu.sem_alloc : memref<!tpu.dma_semaphore, #tpu.memory_space<semaphore_mem>>
      %dma_start3A = arith.constant 0 : i32
      %dma_start3A_37 = tpu.memref_slice %arg9[%add3A_17, %dma_start3A] : memref<10240x128xf32, #tpu.memory_space<vmem_shared>> -> memref<128x128xf32, #tpu.memory_space<vmem_shared>>
      %dma_start3A_38 = arith.constant 0 : i32
      %dma_start3A_39 = tpu.memref_slice %arg9[%add3A_17, %dma_start3A_38] : memref<10240x128xf32, #tpu.memory_space<vmem_shared>> -> memref<128x128xf32, #tpu.memory_space<vmem_shared>>
      tpu.enqueue_dma source(%arg8 : memref<128x128xf32, #tpu.memory_space<vmem>>) target(%dma_start3A_39 : memref<128x128xf32, #tpu.memory_space<vmem_shared>>) target_semaphore(%run_scoped3A : memref<!tpu.dma_semaphore, #tpu.memory_space<semaphore_mem>>)
      %dma_wait3A = arith.constant 0 : i32
      %dma_wait3A_40 = tpu.memref_slice %arg9[%add3A_17, %dma_wait3A] : memref<10240x128xf32, #tpu.memory_space<vmem_shared>> -> memref<128x128xf32, #tpu.memory_space<vmem_shared>>
      %dma_wait3A_41 = arith.constant 0 : i32
      %dma_wait3A_42 = tpu.memref_slice %arg9[%add3A_17, %dma_wait3A_41] : memref<10240x128xf32, #tpu.memory_space<vmem_shared>> -> memref<128x128xf32, #tpu.memory_space<vmem_shared>>
      tpu.wait_dma2 semaphore(%run_scoped3A : memref<!tpu.dma_semaphore, #tpu.memory_space<semaphore_mem>>) src(%arg8 : memref<128x128xf32, #tpu.memory_space<vmem>>) dst(%dma_wait3A_42 : memref<128x128xf32, #tpu.memory_space<vmem_shared>>)
      tpu.yield
    }) : () -> ()
    %mul3A_18 = arith.constant 640 : i32
    %mul3A_19 = arith.muli %arg1, %mul3A_18 : i32
    %add3A_20 = arith.constant 384 : i32
    %add3A_21 = arith.addi %mul3A_19, %add3A_20 : i32
    "tpu.region"() ({
      %run_scoped3A = tpu.sem_alloc : memref<!tpu.dma_semaphore, #tpu.memory_space<semaphore_mem>>
      %dma_start3A = arith.constant 0 : i32
      %dma_start3A_37 = tpu.memref_slice %arg9[%add3A_21, %dma_start3A] : memref<10240x128xf32, #tpu.memory_space<vmem_shared>> -> memref<128x128xf32, #tpu.memory_space<vmem_shared>>
      %dma_start3A_38 = arith.constant 0 : i32
      %dma_start3A_39 = tpu.memref_slice %arg9[%add3A_21, %dma_start3A_38] : memref<10240x128xf32, #tpu.memory_space<vmem_shared>> -> memref<128x128xf32, #tpu.memory_space<vmem_shared>>
      tpu.enqueue_dma source(%arg8 : memref<128x128xf32, #tpu.memory_space<vmem>>) target(%dma_start3A_39 : memref<128x128xf32, #tpu.memory_space<vmem_shared>>) target_semaphore(%run_scoped3A : memref<!tpu.dma_semaphore, #tpu.memory_space<semaphore_mem>>)
      %dma_wait3A = arith.constant 0 : i32
      %dma_wait3A_40 = tpu.memref_slice %arg9[%add3A_21, %dma_wait3A] : memref<10240x128xf32, #tpu.memory_space<vmem_shared>> -> memref<128x128xf32, #tpu.memory_space<vmem_shared>>
      %dma_wait3A_41 = arith.constant 0 : i32
      %dma_wait3A_42 = tpu.memref_slice %arg9[%add3A_21, %dma_wait3A_41] : memref<10240x128xf32, #tpu.memory_space<vmem_shared>> -> memref<128x128xf32, #tpu.memory_space<vmem_shared>>
      tpu.wait_dma2 semaphore(%run_scoped3A : memref<!tpu.dma_semaphore, #tpu.memory_space<semaphore_mem>>) src(%arg8 : memref<128x128xf32, #tpu.memory_space<vmem>>) dst(%dma_wait3A_42 : memref<128x128xf32, #tpu.memory_space<vmem_shared>>)
      tpu.yield
    }) : () -> ()
    %mul3A_22 = arith.constant 640 : i32
    %mul3A_23 = arith.muli %arg1, %mul3A_22 : i32
    %add3A_24 = arith.constant 512 : i32
    %add3A_25 = arith.addi %mul3A_23, %add3A_24 : i32
    "tpu.region"() ({
      %run_scoped3A = tpu.sem_alloc : memref<!tpu.dma_semaphore, #tpu.memory_space<semaphore_mem>>
      %dma_start3A = arith.constant 0 : i32
      %dma_start3A_37 = tpu.memref_slice %arg9[%add3A_25, %dma_start3A] : memref<10240x128xf32, #tpu.memory_space<vmem_shared>> -> memref<128x128xf32, #tpu.memory_space<vmem_shared>>
      %dma_start3A_38 = arith.constant 0 : i32
      %dma_start3A_39 = tpu.memref_slice %arg9[%add3A_25, %dma_start3A_38] : memref<10240x128xf32, #tpu.memory_space<vmem_shared>> -> memref<128x128xf32, #tpu.memory_space<vmem_shared>>
      tpu.enqueue_dma source(%arg8 : memref<128x128xf32, #tpu.memory_space<vmem>>) target(%dma_start3A_39 : memref<128x128xf32, #tpu.memory_space<vmem_shared>>) target_semaphore(%run_scoped3A : memref<!tpu.dma_semaphore, #tpu.memory_space<semaphore_mem>>)
      %dma_wait3A = arith.constant 0 : i32
      %dma_wait3A_40 = tpu.memref_slice %arg9[%add3A_25, %dma_wait3A] : memref<10240x128xf32, #tpu.memory_space<vmem_shared>> -> memref<128x128xf32, #tpu.memory_space<vmem_shared>>
      %dma_wait3A_41 = arith.constant 0 : i32
      %dma_wait3A_42 = tpu.memref_slice %arg9[%add3A_25, %dma_wait3A_41] : memref<10240x128xf32, #tpu.memory_space<vmem_shared>> -> memref<128x128xf32, #tpu.memory_space<vmem_shared>>
      tpu.wait_dma2 semaphore(%run_scoped3A : memref<!tpu.dma_semaphore, #tpu.memory_space<semaphore_mem>>) src(%arg8 : memref<128x128xf32, #tpu.memory_space<vmem>>) dst(%dma_wait3A_42 : memref<128x128xf32, #tpu.memory_space<vmem_shared>>)
      tpu.yield
    }) : () -> ()
    %barrier3A = arith.constant 0 : index
    tpu.barrier barrier_id(%barrier3A)
    %scan3A_26 = arith.constant 0 : i32
    %scan3A_27 = arith.constant 0 : i32
    %scan3A_28 = arith.constant 79 : i32
    %scan3A_29 = arith.addi %scan3A_27, %scan3A_28 : i32
    %scan3A_30 = arith.constant 1 : i32
    scf.for %scan3A_37 = %scan3A_27 to %scan3A_29 step %scan3A_30  : i32 {
      %mul3A_38 = arith.constant 10112 : i32
      %mul3A_39 = arith.muli %add3A, %mul3A_38 : i32
      %mul3A_40 = arith.constant 128 : i32
      %mul3A_41 = arith.muli %scan3A_37, %mul3A_40 : i32
      %add3A_42 = arith.addi %mul3A_39, %mul3A_41 : i32
      %multiple_of3A = tpu.assume_multiple %add3A_42, 128 : i32
      "tpu.region"() ({
        %run_scoped3A = tpu.sem_alloc : memref<!tpu.dma_semaphore, #tpu.memory_space<semaphore_mem>>
        %dma_start3A_47 = tpu.memref_slice %arg3[%multiple_of3A] : memref<323584xi32, #tpu.memory_space<hbm>> -> memref<128xi32, #tpu.memory_space<hbm>>
        %dma_start3A_48 = tpu.memref_slice %arg3[%multiple_of3A] : memref<323584xi32, #tpu.memory_space<hbm>> -> memref<128xi32, #tpu.memory_space<hbm>>
        tpu.enqueue_dma source(%dma_start3A_48 : memref<128xi32, #tpu.memory_space<hbm>>) target(%arg6 : memref<128xi32, #tpu.memory_space<vmem>>) target_semaphore(%run_scoped3A : memref<!tpu.dma_semaphore, #tpu.memory_space<semaphore_mem>>)
        %dma_wait3A_49 = tpu.memref_slice %arg3[%multiple_of3A] : memref<323584xi32, #tpu.memory_space<hbm>> -> memref<128xi32, #tpu.memory_space<hbm>>
        %dma_wait3A_50 = tpu.memref_slice %arg3[%multiple_of3A] : memref<323584xi32, #tpu.memory_space<hbm>> -> memref<128xi32, #tpu.memory_space<hbm>>
        tpu.wait_dma2 semaphore(%run_scoped3A : memref<!tpu.dma_semaphore, #tpu.memory_space<semaphore_mem>>) src(%dma_wait3A_50 : memref<128xi32, #tpu.memory_space<hbm>>) dst(%arg6 : memref<128xi32, #tpu.memory_space<vmem>>)
        tpu.yield
      }) : () -> ()
      "tpu.region"() ({
        %run_scoped3A = tpu.sem_alloc : memref<!tpu.dma_semaphore, #tpu.memory_space<semaphore_mem>>
        %dma_start3A_47 = tpu.memref_slice %arg4[%multiple_of3A] : memref<323584xi32, #tpu.memory_space<hbm>> -> memref<128xi32, #tpu.memory_space<hbm>>
        %dma_start3A_48 = tpu.memref_slice %arg4[%multiple_of3A] : memref<323584xi32, #tpu.memory_space<hbm>> -> memref<128xi32, #tpu.memory_space<hbm>>
        tpu.enqueue_dma source(%dma_start3A_48 : memref<128xi32, #tpu.memory_space<hbm>>) target(%arg7 : memref<128xi32, #tpu.memory_space<vmem>>) target_semaphore(%run_scoped3A : memref<!tpu.dma_semaphore, #tpu.memory_space<semaphore_mem>>)
        %dma_wait3A_49 = tpu.memref_slice %arg4[%multiple_of3A] : memref<323584xi32, #tpu.memory_space<hbm>> -> memref<128xi32, #tpu.memory_space<hbm>>
        %dma_wait3A_50 = tpu.memref_slice %arg4[%multiple_of3A] : memref<323584xi32, #tpu.memory_space<hbm>> -> memref<128xi32, #tpu.memory_space<hbm>>
        tpu.wait_dma2 semaphore(%run_scoped3A : memref<!tpu.dma_semaphore, #tpu.memory_space<semaphore_mem>>) src(%dma_wait3A_50 : memref<128xi32, #tpu.memory_space<hbm>>) dst(%arg7 : memref<128xi32, #tpu.memory_space<vmem>>)
        tpu.yield
      }) : () -> ()
      %dma_start3A = arith.constant 0 : i32
      %dma_start3A_43 = arith.constant 0 : i32
      %dma_start3A_44 = tpu.memref_slice %arg2[%dma_start3A, %dma_start3A_43] : memref<10240x128xf32, #tpu.memory_space<hbm>> -> memref<10240x128xf32, #tpu.memory_space<hbm>>
      tpu.enqueue_indirect_dma source(%dma_start3A_44 : memref<10240x128xf32, #tpu.memory_space<hbm>>) target(%arg8 : memref<128x128xf32, #tpu.memory_space<vmem>>) offsets(%arg6 : memref<128xi32, #tpu.memory_space<vmem>>) semaphore(%arg10 : memref<!tpu.dma_semaphore, #tpu.memory_space<semaphore_mem>>)
      %dma_wait3A = arith.constant 0 : i32
      %dma_wait3A_45 = arith.constant 0 : i32
      %dma_wait3A_46 = tpu.memref_slice %arg2[%dma_wait3A, %dma_wait3A_45] : memref<10240x128xf32, #tpu.memory_space<hbm>> -> memref<10240x128xf32, #tpu.memory_space<hbm>>
      tpu.wait_indirect_dma semaphore(%arg10 : memref<!tpu.dma_semaphore, #tpu.memory_space<semaphore_mem>>) src(%dma_wait3A_46 : memref<10240x128xf32, #tpu.memory_space<hbm>>) dst(%arg8 : memref<128x128xf32, #tpu.memory_space<vmem>>)
      "tpu.region"() ({
        %run_scoped3A = tpu.sem_alloc : memref<!tpu.dma_semaphore, #tpu.memory_space<semaphore_mem>>
        %dma_start3A_47 = arith.constant 0 : i32
        %dma_start3A_48 = arith.constant 0 : i32
        %dma_start3A_49 = tpu.memref_slice %arg9[%dma_start3A_47, %dma_start3A_48] : memref<10240x128xf32, #tpu.memory_space<vmem_shared>> -> memref<10240x128xf32, #tpu.memory_space<vmem_shared>>
        tpu.enqueue_indirect_dma source(%arg8 : memref<128x128xf32, #tpu.memory_space<vmem>>) target(%dma_start3A_49 : memref<10240x128xf32, #tpu.memory_space<vmem_shared>>) offsets(%arg7 : memref<128xi32, #tpu.memory_space<vmem>>) semaphore(%run_scoped3A : memref<!tpu.dma_semaphore, #tpu.memory_space<semaphore_mem>>) {add = true}
        %dma_wait3A_50 = arith.constant 0 : i32
        %dma_wait3A_51 = arith.constant 0 : i32
        %dma_wait3A_52 = tpu.memref_slice %arg9[%dma_wait3A_50, %dma_wait3A_51] : memref<10240x128xf32, #tpu.memory_space<vmem_shared>> -> memref<10240x128xf32, #tpu.memory_space<vmem_shared>>
        tpu.wait_indirect_dma semaphore(%run_scoped3A : memref<!tpu.dma_semaphore, #tpu.memory_space<semaphore_mem>>) src(%arg8 : memref<128x128xf32, #tpu.memory_space<vmem>>) dst(%dma_wait3A_52 : memref<10240x128xf32, #tpu.memory_space<vmem_shared>>)
        tpu.yield
      }) : () -> ()
    }
    %scan3A_31 = arith.constant 79 : i32
    %barrier3A_32 = arith.constant 0 : index
    tpu.barrier barrier_id(%barrier3A_32)
    %mul3A_33 = arith.constant 640 : i32
    %mul3A_34 = arith.muli %arg1, %mul3A_33 : i32
    %mul3A_35 = arith.constant 640 : i32
    %mul3A_36 = arith.muli %arg1, %mul3A_35 : i32
    "tpu.region"() ({
      %run_scoped3A = tpu.sem_alloc : memref<!tpu.dma_semaphore, #tpu.memory_space<semaphore_mem>>
      %dma_start3A = arith.constant 0 : i32
      %dma_start3A_37 = tpu.memref_slice %arg5[%arg0, %mul3A_36, %dma_start3A] : memref<2x10240x128xf32, #tpu.memory_space<hbm>> -> memref<1x640x128xf32, #tpu.memory_space<hbm>>
      %dma_start3A_38 = tpu.memref_squeeze %dma_start3A_37 : memref<1x640x128xf32, #tpu.memory_space<hbm>> -> memref<640x128xf32, #tpu.memory_space<hbm>>
      %dma_start3A_39 = arith.constant 0 : i32
      %dma_start3A_40 = tpu.memref_slice %arg9[%mul3A_34, %dma_start3A_39] : memref<10240x128xf32, #tpu.memory_space<vmem_shared>> -> memref<640x128xf32, #tpu.memory_space<vmem_shared>>
      tpu.enqueue_dma source(%dma_start3A_40 : memref<640x128xf32, #tpu.memory_space<vmem_shared>>) target(%dma_start3A_38 : memref<640x128xf32, #tpu.memory_space<hbm>>) target_semaphore(%run_scoped3A : memref<!tpu.dma_semaphore, #tpu.memory_space<semaphore_mem>>)
      %dma_wait3A = arith.constant 0 : i32
      %dma_wait3A_41 = tpu.memref_slice %arg5[%arg0, %mul3A_36, %dma_wait3A] : memref<2x10240x128xf32, #tpu.memory_space<hbm>> -> memref<1x640x128xf32, #tpu.memory_space<hbm>>
      %dma_wait3A_42 = tpu.memref_squeeze %dma_wait3A_41 : memref<1x640x128xf32, #tpu.memory_space<hbm>> -> memref<640x128xf32, #tpu.memory_space<hbm>>
      %dma_wait3A_43 = arith.constant 0 : i32
      %dma_wait3A_44 = tpu.memref_slice %arg9[%mul3A_34, %dma_wait3A_43] : memref<10240x128xf32, #tpu.memory_space<vmem_shared>> -> memref<640x128xf32, #tpu.memory_space<vmem_shared>>
      tpu.wait_dma2 semaphore(%run_scoped3A : memref<!tpu.dma_semaphore, #tpu.memory_space<semaphore_mem>>) src(%dma_wait3A_44 : memref<640x128xf32, #tpu.memory_space<vmem_shared>>) dst(%dma_wait3A_42 : memref<640x128xf32, #tpu.memory_space<hbm>>)
      tpu.yield
    }) : () -> ()
    return
  }
}

#map = affine_map<(d0, d1) -> (0)>
#map1 = affine_map<(d0, d1) -> (0, 0)>
module attributes {stable_mosaic.version = 14 : i64} {
  func.func @_deg_kernel(%arg0: i32, %arg1: i32, %arg2: memref<323584xi32, #tpu.memory_space<hbm>>, %arg3: memref<2x10240xf32, #tpu.memory_space<hbm>>, %arg4: memref<128xi32, #tpu.memory_space<vmem>>, %arg5: memref<128xf32, #tpu.memory_space<vmem>>, %arg6: memref<640xf32, #tpu.memory_space<vmem>>, %arg7: memref<10240xf32, #tpu.memory_space<vmem_shared>>) attributes {dimension_semantics = [#tpu.dimension_semantics<core_parallel>, #tpu.dimension_semantics<subcore_parallel>], iteration_bounds = array<i64: 2, 16>, scalar_prefetch = 0 : i64, scratch_operands = 4 : i64, tpu.core_type = #tpu.core_type<sc_vector_subcore>, window_params = [{transform_indices = #map}, {transform_indices = #map1}]} {
    %mul3A = arith.constant 16 : i32
    %mul3A_0 = arith.muli %arg0, %mul3A : i32
    %add3A = arith.addi %mul3A_0, %arg1 : i32
    %broadcast_in_dim3A = arith.constant 1.000000e+00 : f32
    %broadcast_in_dim3A_1 = vector.broadcast %broadcast_in_dim3A : f32 to vector<16xf32>
    %swap3A = arith.constant 0 : index
    %swap3A_2 = tpu.vector_load %arg5[%swap3A] {strides = array<i32>} : memref<128xf32, #tpu.memory_space<vmem>>, vector<16xf32>,
    %swap3A_3 = vector.shape_cast %swap3A_2 : vector<16xf32> to vector<16xf32>
    %swap3A_4 = vector.shape_cast %broadcast_in_dim3A_1 : vector<16xf32> to vector<16xf32>
    tpu.vector_store %arg5[%swap3A], %swap3A_4 {strides = array<i32>} : memref<128xf32, #tpu.memory_space<vmem>>, vector<16xf32>,
    %broadcast_in_dim3A_5 = arith.constant 1.000000e+00 : f32
    %broadcast_in_dim3A_6 = vector.broadcast %broadcast_in_dim3A_5 : f32 to vector<16xf32>
    %swap3A_7 = arith.constant 16 : index
    %swap3A_8 = tpu.vector_load %arg5[%swap3A_7] {strides = array<i32>} : memref<128xf32, #tpu.memory_space<vmem>>, vector<16xf32>,
    %swap3A_9 = vector.shape_cast %swap3A_8 : vector<16xf32> to vector<16xf32>
    %swap3A_10 = vector.shape_cast %broadcast_in_dim3A_6 : vector<16xf32> to vector<16xf32>
    tpu.vector_store %arg5[%swap3A_7], %swap3A_10 {strides = array<i32>} : memref<128xf32, #tpu.memory_space<vmem>>, vector<16xf32>,
    %broadcast_in_dim3A_11 = arith.constant 1.000000e+00 : f32
    %broadcast_in_dim3A_12 = vector.broadcast %broadcast_in_dim3A_11 : f32 to vector<16xf32>
    %swap3A_13 = arith.constant 32 : index
    %swap3A_14 = tpu.vector_load %arg5[%swap3A_13] {strides = array<i32>} : memref<128xf32, #tpu.memory_space<vmem>>, vector<16xf32>,
    %swap3A_15 = vector.shape_cast %swap3A_14 : vector<16xf32> to vector<16xf32>
    %swap3A_16 = vector.shape_cast %broadcast_in_dim3A_12 : vector<16xf32> to vector<16xf32>
    tpu.vector_store %arg5[%swap3A_13], %swap3A_16 {strides = array<i32>} : memref<128xf32, #tpu.memory_space<vmem>>, vector<16xf32>,
    %broadcast_in_dim3A_17 = arith.constant 1.000000e+00 : f32
    %broadcast_in_dim3A_18 = vector.broadcast %broadcast_in_dim3A_17 : f32 to vector<16xf32>
    %swap3A_19 = arith.constant 48 : index
    %swap3A_20 = tpu.vector_load %arg5[%swap3A_19] {strides = array<i32>} : memref<128xf32, #tpu.memory_space<vmem>>, vector<16xf32>,
    %swap3A_21 = vector.shape_cast %swap3A_20 : vector<16xf32> to vector<16xf32>
    %swap3A_22 = vector.shape_cast %broadcast_in_dim3A_18 : vector<16xf32> to vector<16xf32>
    tpu.vector_store %arg5[%swap3A_19], %swap3A_22 {strides = array<i32>} : memref<128xf32, #tpu.memory_space<vmem>>, vector<16xf32>,
    %broadcast_in_dim3A_23 = arith.constant 1.000000e+00 : f32
    %broadcast_in_dim3A_24 = vector.broadcast %broadcast_in_dim3A_23 : f32 to vector<16xf32>
    %swap3A_25 = arith.constant 64 : index
    %swap3A_26 = tpu.vector_load %arg5[%swap3A_25] {strides = array<i32>} : memref<128xf32, #tpu.memory_space<vmem>>, vector<16xf32>,
    %swap3A_27 = vector.shape_cast %swap3A_26 : vector<16xf32> to vector<16xf32>
    %swap3A_28 = vector.shape_cast %broadcast_in_dim3A_24 : vector<16xf32> to vector<16xf32>
    tpu.vector_store %arg5[%swap3A_25], %swap3A_28 {strides = array<i32>} : memref<128xf32, #tpu.memory_space<vmem>>, vector<16xf32>,
    %broadcast_in_dim3A_29 = arith.constant 1.000000e+00 : f32
    %broadcast_in_dim3A_30 = vector.broadcast %broadcast_in_dim3A_29 : f32 to vector<16xf32>
    %swap3A_31 = arith.constant 80 : index
    %swap3A_32 = tpu.vector_load %arg5[%swap3A_31] {strides = array<i32>} : memref<128xf32, #tpu.memory_space<vmem>>, vector<16xf32>,
    %swap3A_33 = vector.shape_cast %swap3A_32 : vector<16xf32> to vector<16xf32>
    %swap3A_34 = vector.shape_cast %broadcast_in_dim3A_30 : vector<16xf32> to vector<16xf32>
    tpu.vector_store %arg5[%swap3A_31], %swap3A_34 {strides = array<i32>} : memref<128xf32, #tpu.memory_space<vmem>>, vector<16xf32>,
    %broadcast_in_dim3A_35 = arith.constant 1.000000e+00 : f32
    %broadcast_in_dim3A_36 = vector.broadcast %broadcast_in_dim3A_35 : f32 to vector<16xf32>
    %swap3A_37 = arith.constant 96 : index
    %swap3A_38 = tpu.vector_load %arg5[%swap3A_37] {strides = array<i32>} : memref<128xf32, #tpu.memory_space<vmem>>, vector<16xf32>,
    %swap3A_39 = vector.shape_cast %swap3A_38 : vector<16xf32> to vector<16xf32>
    %swap3A_40 = vector.shape_cast %broadcast_in_dim3A_36 : vector<16xf32> to vector<16xf32>
    tpu.vector_store %arg5[%swap3A_37], %swap3A_40 {strides = array<i32>} : memref<128xf32, #tpu.memory_space<vmem>>, vector<16xf32>,
    %broadcast_in_dim3A_41 = arith.constant 1.000000e+00 : f32
    %broadcast_in_dim3A_42 = vector.broadcast %broadcast_in_dim3A_41 : f32 to vector<16xf32>
    %swap3A_43 = arith.constant 112 : index
    %swap3A_44 = tpu.vector_load %arg5[%swap3A_43] {strides = array<i32>} : memref<128xf32, #tpu.memory_space<vmem>>, vector<16xf32>,
    %swap3A_45 = vector.shape_cast %swap3A_44 : vector<16xf32> to vector<16xf32>
    %swap3A_46 = vector.shape_cast %broadcast_in_dim3A_42 : vector<16xf32> to vector<16xf32>
    tpu.vector_store %arg5[%swap3A_43], %swap3A_46 {strides = array<i32>} : memref<128xf32, #tpu.memory_space<vmem>>, vector<16xf32>,
    %scan3A = arith.constant 0 : i32
    %scan3A_47 = arith.constant 0 : i32
    %scan3A_48 = arith.constant 40 : i32
    %scan3A_49 = arith.addi %scan3A_47, %scan3A_48 : i32
    %scan3A_50 = arith.constant 1 : i32
    scf.for %scan3A_65 = %scan3A_47 to %scan3A_49 step %scan3A_50  : i32 {
      %broadcast_in_dim3A_66 = arith.constant 0.000000e+00 : f32
      %broadcast_in_dim3A_67 = vector.broadcast %broadcast_in_dim3A_66 : f32 to vector<16xf32>
      %mul3A_68 = arith.constant 16 : i32
      %mul3A_69 = arith.muli %scan3A_65, %mul3A_68 : i32
      %swap3A_70 = arith.index_cast %mul3A_69 : i32 to index
      %swap3A_71 = tpu.vector_load %arg6[%swap3A_70] {strides = array<i32>} : memref<640xf32, #tpu.memory_space<vmem>>, vector<16xf32>,
      %swap3A_72 = vector.shape_cast %swap3A_71 : vector<16xf32> to vector<16xf32>
      %swap3A_73 = vector.shape_cast %broadcast_in_dim3A_67 : vector<16xf32> to vector<16xf32>
      tpu.vector_store %arg6[%swap3A_70], %swap3A_73 {strides = array<i32>} : memref<640xf32, #tpu.memory_space<vmem>>, vector<16xf32>,
    }
    %scan3A_51 = arith.constant 40 : i32
    %mul3A_52 = arith.constant 640 : i32
    %mul3A_53 = arith.muli %arg1, %mul3A_52 : i32
    "tpu.region"() ({
      %run_scoped3A = tpu.sem_alloc : memref<!tpu.dma_semaphore, #tpu.memory_space<semaphore_mem>>
      %dma_start3A = tpu.memref_slice %arg7[%mul3A_53] : memref<10240xf32, #tpu.memory_space<vmem_shared>> -> memref<640xf32, #tpu.memory_space<vmem_shared>>
      %dma_start3A_65 = tpu.memref_slice %arg7[%mul3A_53] : memref<10240xf32, #tpu.memory_space<vmem_shared>> -> memref<640xf32, #tpu.memory_space<vmem_shared>>
      tpu.enqueue_dma source(%arg6 : memref<640xf32, #tpu.memory_space<vmem>>) target(%dma_start3A_65 : memref<640xf32, #tpu.memory_space<vmem_shared>>) target_semaphore(%run_scoped3A : memref<!tpu.dma_semaphore, #tpu.memory_space<semaphore_mem>>)
      %dma_wait3A = tpu.memref_slice %arg7[%mul3A_53] : memref<10240xf32, #tpu.memory_space<vmem_shared>> -> memref<640xf32, #tpu.memory_space<vmem_shared>>
      %dma_wait3A_66 = tpu.memref_slice %arg7[%mul3A_53] : memref<10240xf32, #tpu.memory_space<vmem_shared>> -> memref<640xf32, #tpu.memory_space<vmem_shared>>
      tpu.wait_dma2 semaphore(%run_scoped3A : memref<!tpu.dma_semaphore, #tpu.memory_space<semaphore_mem>>) src(%arg6 : memref<640xf32, #tpu.memory_space<vmem>>) dst(%dma_wait3A_66 : memref<640xf32, #tpu.memory_space<vmem_shared>>)
      tpu.yield
    }) : () -> ()
    %barrier3A = arith.constant 0 : index
    tpu.barrier barrier_id(%barrier3A)
    %scan3A_54 = arith.constant 0 : i32
    %scan3A_55 = arith.constant 0 : i32
    %scan3A_56 = arith.constant 79 : i32
    %scan3A_57 = arith.addi %scan3A_55, %scan3A_56 : i32
    %scan3A_58 = arith.constant 1 : i32
    scf.for %scan3A_65 = %scan3A_55 to %scan3A_57 step %scan3A_58  : i32 {
      %mul3A_66 = arith.constant 10112 : i32
      %mul3A_67 = arith.muli %add3A, %mul3A_66 : i32
      %mul3A_68 = arith.constant 128 : i32
      %mul3A_69 = arith.muli %scan3A_65, %mul3A_68 : i32
      %add3A_70 = arith.addi %mul3A_67, %mul3A_69 : i32
      %multiple_of3A = tpu.assume_multiple %add3A_70, 128 : i32
      "tpu.region"() ({
        %run_scoped3A = tpu.sem_alloc : memref<!tpu.dma_semaphore, #tpu.memory_space<semaphore_mem>>
        %dma_start3A = tpu.memref_slice %arg2[%multiple_of3A] : memref<323584xi32, #tpu.memory_space<hbm>> -> memref<128xi32, #tpu.memory_space<hbm>>
        %dma_start3A_71 = tpu.memref_slice %arg2[%multiple_of3A] : memref<323584xi32, #tpu.memory_space<hbm>> -> memref<128xi32, #tpu.memory_space<hbm>>
        tpu.enqueue_dma source(%dma_start3A_71 : memref<128xi32, #tpu.memory_space<hbm>>) target(%arg4 : memref<128xi32, #tpu.memory_space<vmem>>) target_semaphore(%run_scoped3A : memref<!tpu.dma_semaphore, #tpu.memory_space<semaphore_mem>>)
        %dma_wait3A = tpu.memref_slice %arg2[%multiple_of3A] : memref<323584xi32, #tpu.memory_space<hbm>> -> memref<128xi32, #tpu.memory_space<hbm>>
        %dma_wait3A_72 = tpu.memref_slice %arg2[%multiple_of3A] : memref<323584xi32, #tpu.memory_space<hbm>> -> memref<128xi32, #tpu.memory_space<hbm>>
        tpu.wait_dma2 semaphore(%run_scoped3A : memref<!tpu.dma_semaphore, #tpu.memory_space<semaphore_mem>>) src(%dma_wait3A_72 : memref<128xi32, #tpu.memory_space<hbm>>) dst(%arg4 : memref<128xi32, #tpu.memory_space<vmem>>)
        tpu.yield
      }) : () -> ()
      "tpu.region"() ({
        %run_scoped3A = tpu.sem_alloc : memref<!tpu.dma_semaphore, #tpu.memory_space<semaphore_mem>>
        %dma_start3A = arith.constant 0 : i32
        %dma_start3A_71 = tpu.memref_slice %arg7[%dma_start3A] : memref<10240xf32, #tpu.memory_space<vmem_shared>> -> memref<10240xf32, #tpu.memory_space<vmem_shared>>
        tpu.enqueue_indirect_dma source(%arg5 : memref<128xf32, #tpu.memory_space<vmem>>) target(%dma_start3A_71 : memref<10240xf32, #tpu.memory_space<vmem_shared>>) offsets(%arg4 : memref<128xi32, #tpu.memory_space<vmem>>) semaphore(%run_scoped3A : memref<!tpu.dma_semaphore, #tpu.memory_space<semaphore_mem>>) {add = true}
        %dma_wait3A = arith.constant 0 : i32
        %dma_wait3A_72 = tpu.memref_slice %arg7[%dma_wait3A] : memref<10240xf32, #tpu.memory_space<vmem_shared>> -> memref<10240xf32, #tpu.memory_space<vmem_shared>>
        tpu.wait_indirect_dma semaphore(%run_scoped3A : memref<!tpu.dma_semaphore, #tpu.memory_space<semaphore_mem>>) src(%arg5 : memref<128xf32, #tpu.memory_space<vmem>>) dst(%dma_wait3A_72 : memref<10240xf32, #tpu.memory_space<vmem_shared>>)
        tpu.yield
      }) : () -> ()
    }
    %scan3A_59 = arith.constant 79 : i32
    %barrier3A_60 = arith.constant 0 : index
    tpu.barrier barrier_id(%barrier3A_60)
    %mul3A_61 = arith.constant 640 : i32
    %mul3A_62 = arith.muli %arg1, %mul3A_61 : i32
    %mul3A_63 = arith.constant 640 : i32
    %mul3A_64 = arith.muli %arg1, %mul3A_63 : i32
    "tpu.region"() ({
      %run_scoped3A = tpu.sem_alloc : memref<!tpu.dma_semaphore, #tpu.memory_space<semaphore_mem>>
      %dma_start3A = tpu.memref_slice %arg3[%arg0, %mul3A_64] : memref<2x10240xf32, #tpu.memory_space<hbm>> -> memref<1x640xf32, #tpu.memory_space<hbm>>
      %dma_start3A_65 = tpu.memref_squeeze %dma_start3A : memref<1x640xf32, #tpu.memory_space<hbm>> -> memref<640xf32, #tpu.memory_space<hbm>>
      %dma_start3A_66 = tpu.memref_slice %arg7[%mul3A_62] : memref<10240xf32, #tpu.memory_space<vmem_shared>> -> memref<640xf32, #tpu.memory_space<vmem_shared>>
      tpu.enqueue_dma source(%dma_start3A_66 : memref<640xf32, #tpu.memory_space<vmem_shared>>) target(%dma_start3A_65 : memref<640xf32, #tpu.memory_space<hbm>>) target_semaphore(%run_scoped3A : memref<!tpu.dma_semaphore, #tpu.memory_space<semaphore_mem>>)
      %dma_wait3A = tpu.memref_slice %arg3[%arg0, %mul3A_64] : memref<2x10240xf32, #tpu.memory_space<hbm>> -> memref<1x640xf32, #tpu.memory_space<hbm>>
      %dma_wait3A_67 = tpu.memref_squeeze %dma_wait3A : memref<1x640xf32, #tpu.memory_space<hbm>> -> memref<640xf32, #tpu.memory_space<hbm>>
      %dma_wait3A_68 = tpu.memref_slice %arg7[%mul3A_62] : memref<10240xf32, #tpu.memory_space<vmem_shared>> -> memref<640xf32, #tpu.memory_space<vmem_shared>>
      tpu.wait_dma2 semaphore(%run_scoped3A : memref<!tpu.dma_semaphore, #tpu.memory_space<semaphore_mem>>) src(%dma_wait3A_68 : memref<640xf32, #tpu.memory_space<vmem_shared>>) dst(%dma_wait3A_67 : memref<640xf32, #tpu.memory_space<hbm>>)
      tpu.yield
    }) : () -> ()
    return
  }
}

#map = affine_map<(d0, d1) -> (0, 0)>
#map1 = affine_map<(d0, d1) -> (0)>
#map2 = affine_map<(d0, d1) -> (0, 0, 0)>
module attributes {stable_mosaic.version = 14 : i64} {
  func.func @_edge_kernel(%arg0: i32, %arg1: i32, %arg2: memref<10240x128xf32, #tpu.memory_space<hbm>>, %arg3: memref<323584xi32, #tpu.memory_space<hbm>>, %arg4: memref<323584xi32, #tpu.memory_space<hbm>>, %arg5: memref<2x10240x128xf32, #tpu.memory_space<hbm>>, %arg6: memref<128xi32, #tpu.memory_space<vmem>>, %arg7: memref<128xi32, #tpu.memory_space<vmem>>, %arg8: memref<128x128xf32, #tpu.memory_space<vmem>>, %arg9: memref<10240x128xf32, #tpu.memory_space<vmem_shared>>, %arg10: memref<!tpu.dma_semaphore, #tpu.memory_space<semaphore_mem>>) attributes {dimension_semantics = [#tpu.dimension_semantics<core_parallel>, #tpu.dimension_semantics<subcore_parallel>], iteration_bounds = array<i64: 2, 16>, scalar_prefetch = 0 : i64, scratch_operands = 5 : i64, tpu.core_type = #tpu.core_type<sc_vector_subcore>, window_params = [{transform_indices = #map}, {transform_indices = #map1}, {transform_indices = #map1}, {transform_indices = #map2}]} {
    %mul3A = arith.constant 16 : i32
    %mul3A_0 = arith.muli %arg0, %mul3A : i32
    %add3A = arith.addi %mul3A_0, %arg1 : i32
    %scan3A = arith.constant 0 : i32
    %scan3A_1 = arith.constant 0 : i32
    %scan3A_2 = arith.constant 1024 : i32
    %scan3A_3 = arith.addi %scan3A_1, %scan3A_2 : i32
    %scan3A_4 = arith.constant 1 : i32
    scf.for %scan3A_37 = %scan3A_1 to %scan3A_3 step %scan3A_4  : i32 {
      %jit3A = arith.constant 8 : i32
      %div3A = arith.divsi %scan3A_37, %jit3A : i32
      %sign3A = arith.constant 0 : i32
      %sign3A_38 = arith.cmpi sgt, %scan3A_37, %sign3A : i32
      %sign3A_39 = arith.extui %sign3A_38 : i1 to i32
      %sign3A_40 = arith.constant 0 : i32
      %sign3A_41 = arith.cmpi slt, %scan3A_37, %sign3A_40 : i32
      %sign3A_42 = arith.extui %sign3A_41 : i1 to i32
      %sign3A_43 = arith.subi %sign3A_39, %sign3A_42 : i32
      %sign3A_44 = arith.constant 0 : i32
      %sign3A_45 = arith.cmpi sgt, %jit3A, %sign3A_44 : i32
      %sign3A_46 = arith.extui %sign3A_45 : i1 to i32
      %sign3A_47 = arith.constant 0 : i32
      %sign3A_48 = arith.cmpi slt, %jit3A, %sign3A_47 : i32
      %sign3A_49 = arith.extui %sign3A_48 : i1 to i32
      %sign3A_50 = arith.subi %sign3A_46, %sign3A_49 : i32
      %ne3A = arith.cmpi ne, %sign3A_43, %sign3A_50 : i32
      %rem3A = arith.remsi %scan3A_37, %jit3A : i32
      %ne3A_51 = arith.constant 0 : i32
      %ne3A_52 = arith.cmpi ne, %rem3A, %ne3A_51 : i32
      %and3A = arith.andi %ne3A, %ne3A_52 : i1
      %sub3A = arith.constant 1 : i32
      %sub3A_53 = arith.subi %div3A, %sub3A : i32
      %select_n3A = arith.select %and3A, %sub3A_53, %div3A : i32
      %jit3A_54 = arith.constant 8 : i32
      %eq3A = arith.constant 0 : i32
      %eq3A_55 = arith.cmpi eq, %jit3A_54, %eq3A : i32
      %jit3A_56 = arith.constant 1 : i32
      %select_n3A_57 = arith.select %eq3A_55, %jit3A_56, %jit3A_54 : i32
      %rem3A_58 = arith.remsi %scan3A_37, %select_n3A_57 : i32
      %ne3A_59 = arith.constant 0 : i32
      %ne3A_60 = arith.cmpi ne, %rem3A_58, %ne3A_59 : i32
      %lt3A = arith.constant 0 : i32
      %lt3A_61 = arith.cmpi slt, %rem3A_58, %lt3A : i32
      %lt3A_62 = arith.constant 0 : i32
      %lt3A_63 = arith.cmpi slt, %select_n3A_57, %lt3A_62 : i32
      %ne3A_64 = arith.xori %lt3A_61, %lt3A_63 : i1
      %and3A_65 = arith.andi %ne3A_64, %ne3A_60 : i1
      %add3A_66 = arith.addi %rem3A_58, %select_n3A_57 : i32
      %select_n3A_67 = arith.select %and3A_65, %add3A_66, %rem3A_58 : i32
      %broadcast_in_dim3A = arith.constant 0.000000e+00 : f32
      %broadcast_in_dim3A_68 = vector.broadcast %broadcast_in_dim3A : f32 to vector<16xf32>
      %mul3A_69 = arith.constant 16 : i32
      %mul3A_70 = arith.muli %select_n3A_67, %mul3A_69 : i32
      %swap3A = arith.index_cast %select_n3A : i32 to index
      %swap3A_71 = arith.index_cast %mul3A_70 : i32 to index
      %swap3A_72 = tpu.vector_load %arg8[%swap3A, %swap3A_71] {strides = array<i32>} : memref<128x128xf32, #tpu.memory_space<vmem>>, vector<1x16xf32>,
      %swap3A_73 = vector.shape_cast %swap3A_72 : vector<1x16xf32> to vector<16xf32>
      %swap3A_74 = vector.shape_cast %broadcast_in_dim3A_68 : vector<16xf32> to vector<1x16xf32>
      tpu.vector_store %arg8[%swap3A, %swap3A_71], %swap3A_74 {strides = array<i32>} : memref<128x128xf32, #tpu.memory_space<vmem>>, vector<1x16xf32>,
    }
    %scan3A_5 = arith.constant 1024 : i32
    %mul3A_6 = arith.constant 640 : i32
    %mul3A_7 = arith.muli %arg1, %mul3A_6 : i32
    %add3A_8 = arith.constant 0 : i32
    %add3A_9 = arith.addi %mul3A_7, %add3A_8 : i32
    "tpu.region"() ({
      %run_scoped3A = tpu.sem_alloc : memref<!tpu.dma_semaphore, #tpu.memory_space<semaphore_mem>>
      %dma_start3A = arith.constant 0 : i32
      %dma_start3A_37 = tpu.memref_slice %arg9[%add3A_9, %dma_start3A] : memref<10240x128xf32, #tpu.memory_space<vmem_shared>> -> memref<128x128xf32, #tpu.memory_space<vmem_shared>>
      %dma_start3A_38 = arith.constant 0 : i32
      %dma_start3A_39 = tpu.memref_slice %arg9[%add3A_9, %dma_start3A_38] : memref<10240x128xf32, #tpu.memory_space<vmem_shared>> -> memref<128x128xf32, #tpu.memory_space<vmem_shared>>
      tpu.enqueue_dma source(%arg8 : memref<128x128xf32, #tpu.memory_space<vmem>>) target(%dma_start3A_39 : memref<128x128xf32, #tpu.memory_space<vmem_shared>>) target_semaphore(%run_scoped3A : memref<!tpu.dma_semaphore, #tpu.memory_space<semaphore_mem>>)
      %dma_wait3A = arith.constant 0 : i32
      %dma_wait3A_40 = tpu.memref_slice %arg9[%add3A_9, %dma_wait3A] : memref<10240x128xf32, #tpu.memory_space<vmem_shared>> -> memref<128x128xf32, #tpu.memory_space<vmem_shared>>
      %dma_wait3A_41 = arith.constant 0 : i32
      %dma_wait3A_42 = tpu.memref_slice %arg9[%add3A_9, %dma_wait3A_41] : memref<10240x128xf32, #tpu.memory_space<vmem_shared>> -> memref<128x128xf32, #tpu.memory_space<vmem_shared>>
      tpu.wait_dma2 semaphore(%run_scoped3A : memref<!tpu.dma_semaphore, #tpu.memory_space<semaphore_mem>>) src(%arg8 : memref<128x128xf32, #tpu.memory_space<vmem>>) dst(%dma_wait3A_42 : memref<128x128xf32, #tpu.memory_space<vmem_shared>>)
      tpu.yield
    }) : () -> ()
    %mul3A_10 = arith.constant 640 : i32
    %mul3A_11 = arith.muli %arg1, %mul3A_10 : i32
    %add3A_12 = arith.constant 128 : i32
    %add3A_13 = arith.addi %mul3A_11, %add3A_12 : i32
    "tpu.region"() ({
      %run_scoped3A = tpu.sem_alloc : memref<!tpu.dma_semaphore, #tpu.memory_space<semaphore_mem>>
      %dma_start3A = arith.constant 0 : i32
      %dma_start3A_37 = tpu.memref_slice %arg9[%add3A_13, %dma_start3A] : memref<10240x128xf32, #tpu.memory_space<vmem_shared>> -> memref<128x128xf32, #tpu.memory_space<vmem_shared>>
      %dma_start3A_38 = arith.constant 0 : i32
      %dma_start3A_39 = tpu.memref_slice %arg9[%add3A_13, %dma_start3A_38] : memref<10240x128xf32, #tpu.memory_space<vmem_shared>> -> memref<128x128xf32, #tpu.memory_space<vmem_shared>>
      tpu.enqueue_dma source(%arg8 : memref<128x128xf32, #tpu.memory_space<vmem>>) target(%dma_start3A_39 : memref<128x128xf32, #tpu.memory_space<vmem_shared>>) target_semaphore(%run_scoped3A : memref<!tpu.dma_semaphore, #tpu.memory_space<semaphore_mem>>)
      %dma_wait3A = arith.constant 0 : i32
      %dma_wait3A_40 = tpu.memref_slice %arg9[%add3A_13, %dma_wait3A] : memref<10240x128xf32, #tpu.memory_space<vmem_shared>> -> memref<128x128xf32, #tpu.memory_space<vmem_shared>>
      %dma_wait3A_41 = arith.constant 0 : i32
      %dma_wait3A_42 = tpu.memref_slice %arg9[%add3A_13, %dma_wait3A_41] : memref<10240x128xf32, #tpu.memory_space<vmem_shared>> -> memref<128x128xf32, #tpu.memory_space<vmem_shared>>
      tpu.wait_dma2 semaphore(%run_scoped3A : memref<!tpu.dma_semaphore, #tpu.memory_space<semaphore_mem>>) src(%arg8 : memref<128x128xf32, #tpu.memory_space<vmem>>) dst(%dma_wait3A_42 : memref<128x128xf32, #tpu.memory_space<vmem_shared>>)
      tpu.yield
    }) : () -> ()
    %mul3A_14 = arith.constant 640 : i32
    %mul3A_15 = arith.muli %arg1, %mul3A_14 : i32
    %add3A_16 = arith.constant 256 : i32
    %add3A_17 = arith.addi %mul3A_15, %add3A_16 : i32
    "tpu.region"() ({
      %run_scoped3A = tpu.sem_alloc : memref<!tpu.dma_semaphore, #tpu.memory_space<semaphore_mem>>
      %dma_start3A = arith.constant 0 : i32
      %dma_start3A_37 = tpu.memref_slice %arg9[%add3A_17, %dma_start3A] : memref<10240x128xf32, #tpu.memory_space<vmem_shared>> -> memref<128x128xf32, #tpu.memory_space<vmem_shared>>
      %dma_start3A_38 = arith.constant 0 : i32
      %dma_start3A_39 = tpu.memref_slice %arg9[%add3A_17, %dma_start3A_38] : memref<10240x128xf32, #tpu.memory_space<vmem_shared>> -> memref<128x128xf32, #tpu.memory_space<vmem_shared>>
      tpu.enqueue_dma source(%arg8 : memref<128x128xf32, #tpu.memory_space<vmem>>) target(%dma_start3A_39 : memref<128x128xf32, #tpu.memory_space<vmem_shared>>) target_semaphore(%run_scoped3A : memref<!tpu.dma_semaphore, #tpu.memory_space<semaphore_mem>>)
      %dma_wait3A = arith.constant 0 : i32
      %dma_wait3A_40 = tpu.memref_slice %arg9[%add3A_17, %dma_wait3A] : memref<10240x128xf32, #tpu.memory_space<vmem_shared>> -> memref<128x128xf32, #tpu.memory_space<vmem_shared>>
      %dma_wait3A_41 = arith.constant 0 : i32
      %dma_wait3A_42 = tpu.memref_slice %arg9[%add3A_17, %dma_wait3A_41] : memref<10240x128xf32, #tpu.memory_space<vmem_shared>> -> memref<128x128xf32, #tpu.memory_space<vmem_shared>>
      tpu.wait_dma2 semaphore(%run_scoped3A : memref<!tpu.dma_semaphore, #tpu.memory_space<semaphore_mem>>) src(%arg8 : memref<128x128xf32, #tpu.memory_space<vmem>>) dst(%dma_wait3A_42 : memref<128x128xf32, #tpu.memory_space<vmem_shared>>)
      tpu.yield
    }) : () -> ()
    %mul3A_18 = arith.constant 640 : i32
    %mul3A_19 = arith.muli %arg1, %mul3A_18 : i32
    %add3A_20 = arith.constant 384 : i32
    %add3A_21 = arith.addi %mul3A_19, %add3A_20 : i32
    "tpu.region"() ({
      %run_scoped3A = tpu.sem_alloc : memref<!tpu.dma_semaphore, #tpu.memory_space<semaphore_mem>>
      %dma_start3A = arith.constant 0 : i32
      %dma_start3A_37 = tpu.memref_slice %arg9[%add3A_21, %dma_start3A] : memref<10240x128xf32, #tpu.memory_space<vmem_shared>> -> memref<128x128xf32, #tpu.memory_space<vmem_shared>>
      %dma_start3A_38 = arith.constant 0 : i32
      %dma_start3A_39 = tpu.memref_slice %arg9[%add3A_21, %dma_start3A_38] : memref<10240x128xf32, #tpu.memory_space<vmem_shared>> -> memref<128x128xf32, #tpu.memory_space<vmem_shared>>
      tpu.enqueue_dma source(%arg8 : memref<128x128xf32, #tpu.memory_space<vmem>>) target(%dma_start3A_39 : memref<128x128xf32, #tpu.memory_space<vmem_shared>>) target_semaphore(%run_scoped3A : memref<!tpu.dma_semaphore, #tpu.memory_space<semaphore_mem>>)
      %dma_wait3A = arith.constant 0 : i32
      %dma_wait3A_40 = tpu.memref_slice %arg9[%add3A_21, %dma_wait3A] : memref<10240x128xf32, #tpu.memory_space<vmem_shared>> -> memref<128x128xf32, #tpu.memory_space<vmem_shared>>
      %dma_wait3A_41 = arith.constant 0 : i32
      %dma_wait3A_42 = tpu.memref_slice %arg9[%add3A_21, %dma_wait3A_41] : memref<10240x128xf32, #tpu.memory_space<vmem_shared>> -> memref<128x128xf32, #tpu.memory_space<vmem_shared>>
      tpu.wait_dma2 semaphore(%run_scoped3A : memref<!tpu.dma_semaphore, #tpu.memory_space<semaphore_mem>>) src(%arg8 : memref<128x128xf32, #tpu.memory_space<vmem>>) dst(%dma_wait3A_42 : memref<128x128xf32, #tpu.memory_space<vmem_shared>>)
      tpu.yield
    }) : () -> ()
    %mul3A_22 = arith.constant 640 : i32
    %mul3A_23 = arith.muli %arg1, %mul3A_22 : i32
    %add3A_24 = arith.constant 512 : i32
    %add3A_25 = arith.addi %mul3A_23, %add3A_24 : i32
    "tpu.region"() ({
      %run_scoped3A = tpu.sem_alloc : memref<!tpu.dma_semaphore, #tpu.memory_space<semaphore_mem>>
      %dma_start3A = arith.constant 0 : i32
      %dma_start3A_37 = tpu.memref_slice %arg9[%add3A_25, %dma_start3A] : memref<10240x128xf32, #tpu.memory_space<vmem_shared>> -> memref<128x128xf32, #tpu.memory_space<vmem_shared>>
      %dma_start3A_38 = arith.constant 0 : i32
      %dma_start3A_39 = tpu.memref_slice %arg9[%add3A_25, %dma_start3A_38] : memref<10240x128xf32, #tpu.memory_space<vmem_shared>> -> memref<128x128xf32, #tpu.memory_space<vmem_shared>>
      tpu.enqueue_dma source(%arg8 : memref<128x128xf32, #tpu.memory_space<vmem>>) target(%dma_start3A_39 : memref<128x128xf32, #tpu.memory_space<vmem_shared>>) target_semaphore(%run_scoped3A : memref<!tpu.dma_semaphore, #tpu.memory_space<semaphore_mem>>)
      %dma_wait3A = arith.constant 0 : i32
      %dma_wait3A_40 = tpu.memref_slice %arg9[%add3A_25, %dma_wait3A] : memref<10240x128xf32, #tpu.memory_space<vmem_shared>> -> memref<128x128xf32, #tpu.memory_space<vmem_shared>>
      %dma_wait3A_41 = arith.constant 0 : i32
      %dma_wait3A_42 = tpu.memref_slice %arg9[%add3A_25, %dma_wait3A_41] : memref<10240x128xf32, #tpu.memory_space<vmem_shared>> -> memref<128x128xf32, #tpu.memory_space<vmem_shared>>
      tpu.wait_dma2 semaphore(%run_scoped3A : memref<!tpu.dma_semaphore, #tpu.memory_space<semaphore_mem>>) src(%arg8 : memref<128x128xf32, #tpu.memory_space<vmem>>) dst(%dma_wait3A_42 : memref<128x128xf32, #tpu.memory_space<vmem_shared>>)
      tpu.yield
    }) : () -> ()
    %barrier3A = arith.constant 0 : index
    tpu.barrier barrier_id(%barrier3A)
    %scan3A_26 = arith.constant 0 : i32
    %scan3A_27 = arith.constant 0 : i32
    %scan3A_28 = arith.constant 79 : i32
    %scan3A_29 = arith.addi %scan3A_27, %scan3A_28 : i32
    %scan3A_30 = arith.constant 1 : i32
    scf.for %scan3A_37 = %scan3A_27 to %scan3A_29 step %scan3A_30  : i32 {
      %mul3A_38 = arith.constant 10112 : i32
      %mul3A_39 = arith.muli %add3A, %mul3A_38 : i32
      %mul3A_40 = arith.constant 128 : i32
      %mul3A_41 = arith.muli %scan3A_37, %mul3A_40 : i32
      %add3A_42 = arith.addi %mul3A_39, %mul3A_41 : i32
      %multiple_of3A = tpu.assume_multiple %add3A_42, 128 : i32
      "tpu.region"() ({
        %run_scoped3A = tpu.sem_alloc : memref<!tpu.dma_semaphore, #tpu.memory_space<semaphore_mem>>
        %dma_start3A_47 = tpu.memref_slice %arg3[%multiple_of3A] : memref<323584xi32, #tpu.memory_space<hbm>> -> memref<128xi32, #tpu.memory_space<hbm>>
        %dma_start3A_48 = tpu.memref_slice %arg3[%multiple_of3A] : memref<323584xi32, #tpu.memory_space<hbm>> -> memref<128xi32, #tpu.memory_space<hbm>>
        tpu.enqueue_dma source(%dma_start3A_48 : memref<128xi32, #tpu.memory_space<hbm>>) target(%arg6 : memref<128xi32, #tpu.memory_space<vmem>>) target_semaphore(%run_scoped3A : memref<!tpu.dma_semaphore, #tpu.memory_space<semaphore_mem>>)
        %dma_wait3A_49 = tpu.memref_slice %arg3[%multiple_of3A] : memref<323584xi32, #tpu.memory_space<hbm>> -> memref<128xi32, #tpu.memory_space<hbm>>
        %dma_wait3A_50 = tpu.memref_slice %arg3[%multiple_of3A] : memref<323584xi32, #tpu.memory_space<hbm>> -> memref<128xi32, #tpu.memory_space<hbm>>
        tpu.wait_dma2 semaphore(%run_scoped3A : memref<!tpu.dma_semaphore, #tpu.memory_space<semaphore_mem>>) src(%dma_wait3A_50 : memref<128xi32, #tpu.memory_space<hbm>>) dst(%arg6 : memref<128xi32, #tpu.memory_space<vmem>>)
        tpu.yield
      }) : () -> ()
      "tpu.region"() ({
        %run_scoped3A = tpu.sem_alloc : memref<!tpu.dma_semaphore, #tpu.memory_space<semaphore_mem>>
        %dma_start3A_47 = tpu.memref_slice %arg4[%multiple_of3A] : memref<323584xi32, #tpu.memory_space<hbm>> -> memref<128xi32, #tpu.memory_space<hbm>>
        %dma_start3A_48 = tpu.memref_slice %arg4[%multiple_of3A] : memref<323584xi32, #tpu.memory_space<hbm>> -> memref<128xi32, #tpu.memory_space<hbm>>
        tpu.enqueue_dma source(%dma_start3A_48 : memref<128xi32, #tpu.memory_space<hbm>>) target(%arg7 : memref<128xi32, #tpu.memory_space<vmem>>) target_semaphore(%run_scoped3A : memref<!tpu.dma_semaphore, #tpu.memory_space<semaphore_mem>>)
        %dma_wait3A_49 = tpu.memref_slice %arg4[%multiple_of3A] : memref<323584xi32, #tpu.memory_space<hbm>> -> memref<128xi32, #tpu.memory_space<hbm>>
        %dma_wait3A_50 = tpu.memref_slice %arg4[%multiple_of3A] : memref<323584xi32, #tpu.memory_space<hbm>> -> memref<128xi32, #tpu.memory_space<hbm>>
        tpu.wait_dma2 semaphore(%run_scoped3A : memref<!tpu.dma_semaphore, #tpu.memory_space<semaphore_mem>>) src(%dma_wait3A_50 : memref<128xi32, #tpu.memory_space<hbm>>) dst(%arg7 : memref<128xi32, #tpu.memory_space<vmem>>)
        tpu.yield
      }) : () -> ()
      %dma_start3A = arith.constant 0 : i32
      %dma_start3A_43 = arith.constant 0 : i32
      %dma_start3A_44 = tpu.memref_slice %arg2[%dma_start3A, %dma_start3A_43] : memref<10240x128xf32, #tpu.memory_space<hbm>> -> memref<10240x128xf32, #tpu.memory_space<hbm>>
      tpu.enqueue_indirect_dma source(%dma_start3A_44 : memref<10240x128xf32, #tpu.memory_space<hbm>>) target(%arg8 : memref<128x128xf32, #tpu.memory_space<vmem>>) offsets(%arg6 : memref<128xi32, #tpu.memory_space<vmem>>) semaphore(%arg10 : memref<!tpu.dma_semaphore, #tpu.memory_space<semaphore_mem>>)
      %dma_wait3A = arith.constant 0 : i32
      %dma_wait3A_45 = arith.constant 0 : i32
      %dma_wait3A_46 = tpu.memref_slice %arg2[%dma_wait3A, %dma_wait3A_45] : memref<10240x128xf32, #tpu.memory_space<hbm>> -> memref<10240x128xf32, #tpu.memory_space<hbm>>
      tpu.wait_indirect_dma semaphore(%arg10 : memref<!tpu.dma_semaphore, #tpu.memory_space<semaphore_mem>>) src(%dma_wait3A_46 : memref<10240x128xf32, #tpu.memory_space<hbm>>) dst(%arg8 : memref<128x128xf32, #tpu.memory_space<vmem>>)
      "tpu.region"() ({
        %run_scoped3A = tpu.sem_alloc : memref<!tpu.dma_semaphore, #tpu.memory_space<semaphore_mem>>
        %dma_start3A_47 = arith.constant 0 : i32
        %dma_start3A_48 = arith.constant 0 : i32
        %dma_start3A_49 = tpu.memref_slice %arg9[%dma_start3A_47, %dma_start3A_48] : memref<10240x128xf32, #tpu.memory_space<vmem_shared>> -> memref<10240x128xf32, #tpu.memory_space<vmem_shared>>
        tpu.enqueue_indirect_dma source(%arg8 : memref<128x128xf32, #tpu.memory_space<vmem>>) target(%dma_start3A_49 : memref<10240x128xf32, #tpu.memory_space<vmem_shared>>) offsets(%arg7 : memref<128xi32, #tpu.memory_space<vmem>>) semaphore(%run_scoped3A : memref<!tpu.dma_semaphore, #tpu.memory_space<semaphore_mem>>) {add = true}
        %dma_wait3A_50 = arith.constant 0 : i32
        %dma_wait3A_51 = arith.constant 0 : i32
        %dma_wait3A_52 = tpu.memref_slice %arg9[%dma_wait3A_50, %dma_wait3A_51] : memref<10240x128xf32, #tpu.memory_space<vmem_shared>> -> memref<10240x128xf32, #tpu.memory_space<vmem_shared>>
        tpu.wait_indirect_dma semaphore(%run_scoped3A : memref<!tpu.dma_semaphore, #tpu.memory_space<semaphore_mem>>) src(%arg8 : memref<128x128xf32, #tpu.memory_space<vmem>>) dst(%dma_wait3A_52 : memref<10240x128xf32, #tpu.memory_space<vmem_shared>>)
        tpu.yield
      }) : () -> ()
    }
    %scan3A_31 = arith.constant 79 : i32
    %barrier3A_32 = arith.constant 0 : index
    tpu.barrier barrier_id(%barrier3A_32)
    %mul3A_33 = arith.constant 640 : i32
    %mul3A_34 = arith.muli %arg1, %mul3A_33 : i32
    %mul3A_35 = arith.constant 640 : i32
    %mul3A_36 = arith.muli %arg1, %mul3A_35 : i32
    "tpu.region"() ({
      %run_scoped3A = tpu.sem_alloc : memref<!tpu.dma_semaphore, #tpu.memory_space<semaphore_mem>>
      %dma_start3A = arith.constant 0 : i32
      %dma_start3A_37 = tpu.memref_slice %arg5[%arg0, %mul3A_36, %dma_start3A] : memref<2x10240x128xf32, #tpu.memory_space<hbm>> -> memref<1x640x128xf32, #tpu.memory_space<hbm>>
      %dma_start3A_38 = tpu.memref_squeeze %dma_start3A_37 : memref<1x640x128xf32, #tpu.memory_space<hbm>> -> memref<640x128xf32, #tpu.memory_space<hbm>>
      %dma_start3A_39 = arith.constant 0 : i32
      %dma_start3A_40 = tpu.memref_slice %arg9[%mul3A_34, %dma_start3A_39] : memref<10240x128xf32, #tpu.memory_space<vmem_shared>> -> memref<640x128xf32, #tpu.memory_space<vmem_shared>>
      tpu.enqueue_dma source(%dma_start3A_40 : memref<640x128xf32, #tpu.memory_space<vmem_shared>>) target(%dma_start3A_38 : memref<640x128xf32, #tpu.memory_space<hbm>>) target_semaphore(%run_scoped3A : memref<!tpu.dma_semaphore, #tpu.memory_space<semaphore_mem>>)
      %dma_wait3A = arith.constant 0 : i32
      %dma_wait3A_41 = tpu.memref_slice %arg5[%arg0, %mul3A_36, %dma_wait3A] : memref<2x10240x128xf32, #tpu.memory_space<hbm>> -> memref<1x640x128xf32, #tpu.memory_space<hbm>>
      %dma_wait3A_42 = tpu.memref_squeeze %dma_wait3A_41 : memref<1x640x128xf32, #tpu.memory_space<hbm>> -> memref<640x128xf32, #tpu.memory_space<hbm>>
      %dma_wait3A_43 = arith.constant 0 : i32
      %dma_wait3A_44 = tpu.memref_slice %arg9[%mul3A_34, %dma_wait3A_43] : memref<10240x128xf32, #tpu.memory_space<vmem_shared>> -> memref<640x128xf32, #tpu.memory_space<vmem_shared>>
      tpu.wait_dma2 semaphore(%run_scoped3A : memref<!tpu.dma_semaphore, #tpu.memory_space<semaphore_mem>>) src(%dma_wait3A_44 : memref<640x128xf32, #tpu.memory_space<vmem_shared>>) dst(%dma_wait3A_42 : memref<640x128xf32, #tpu.memory_space<hbm>>)
      tpu.yield
    }) : () -> ()
    return
  }
}

#map = affine_map<(d0, d1) -> (0, 0)>
#map1 = affine_map<(d0, d1) -> (0)>
#map2 = affine_map<(d0, d1) -> (0, 0, 0)>
module attributes {stable_mosaic.version = 14 : i64} {
  func.func @_edge_kernel(%arg0: i32, %arg1: i32, %arg2: memref<10240x128xf32, #tpu.memory_space<hbm>>, %arg3: memref<323584xi32, #tpu.memory_space<hbm>>, %arg4: memref<323584xi32, #tpu.memory_space<hbm>>, %arg5: memref<2x10240x128xf32, #tpu.memory_space<hbm>>, %arg6: memref<128xi32, #tpu.memory_space<vmem>>, %arg7: memref<128xi32, #tpu.memory_space<vmem>>, %arg8: memref<128x128xf32, #tpu.memory_space<vmem>>, %arg9: memref<10240x128xf32, #tpu.memory_space<vmem_shared>>, %arg10: memref<!tpu.dma_semaphore, #tpu.memory_space<semaphore_mem>>) attributes {dimension_semantics = [#tpu.dimension_semantics<core_parallel>, #tpu.dimension_semantics<subcore_parallel>], iteration_bounds = array<i64: 2, 16>, scalar_prefetch = 0 : i64, scratch_operands = 5 : i64, tpu.core_type = #tpu.core_type<sc_vector_subcore>, window_params = [{transform_indices = #map}, {transform_indices = #map1}, {transform_indices = #map1}, {transform_indices = #map2}]} {
    %mul3A = arith.constant 16 : i32
    %mul3A_0 = arith.muli %arg0, %mul3A : i32
    %add3A = arith.addi %mul3A_0, %arg1 : i32
    %scan3A = arith.constant 0 : i32
    %scan3A_1 = arith.constant 0 : i32
    %scan3A_2 = arith.constant 1024 : i32
    %scan3A_3 = arith.addi %scan3A_1, %scan3A_2 : i32
    %scan3A_4 = arith.constant 1 : i32
    scf.for %scan3A_37 = %scan3A_1 to %scan3A_3 step %scan3A_4  : i32 {
      %jit3A = arith.constant 8 : i32
      %div3A = arith.divsi %scan3A_37, %jit3A : i32
      %sign3A = arith.constant 0 : i32
      %sign3A_38 = arith.cmpi sgt, %scan3A_37, %sign3A : i32
      %sign3A_39 = arith.extui %sign3A_38 : i1 to i32
      %sign3A_40 = arith.constant 0 : i32
      %sign3A_41 = arith.cmpi slt, %scan3A_37, %sign3A_40 : i32
      %sign3A_42 = arith.extui %sign3A_41 : i1 to i32
      %sign3A_43 = arith.subi %sign3A_39, %sign3A_42 : i32
      %sign3A_44 = arith.constant 0 : i32
      %sign3A_45 = arith.cmpi sgt, %jit3A, %sign3A_44 : i32
      %sign3A_46 = arith.extui %sign3A_45 : i1 to i32
      %sign3A_47 = arith.constant 0 : i32
      %sign3A_48 = arith.cmpi slt, %jit3A, %sign3A_47 : i32
      %sign3A_49 = arith.extui %sign3A_48 : i1 to i32
      %sign3A_50 = arith.subi %sign3A_46, %sign3A_49 : i32
      %ne3A = arith.cmpi ne, %sign3A_43, %sign3A_50 : i32
      %rem3A = arith.remsi %scan3A_37, %jit3A : i32
      %ne3A_51 = arith.constant 0 : i32
      %ne3A_52 = arith.cmpi ne, %rem3A, %ne3A_51 : i32
      %and3A = arith.andi %ne3A, %ne3A_52 : i1
      %sub3A = arith.constant 1 : i32
      %sub3A_53 = arith.subi %div3A, %sub3A : i32
      %select_n3A = arith.select %and3A, %sub3A_53, %div3A : i32
      %jit3A_54 = arith.constant 8 : i32
      %eq3A = arith.constant 0 : i32
      %eq3A_55 = arith.cmpi eq, %jit3A_54, %eq3A : i32
      %jit3A_56 = arith.constant 1 : i32
      %select_n3A_57 = arith.select %eq3A_55, %jit3A_56, %jit3A_54 : i32
      %rem3A_58 = arith.remsi %scan3A_37, %select_n3A_57 : i32
      %ne3A_59 = arith.constant 0 : i32
      %ne3A_60 = arith.cmpi ne, %rem3A_58, %ne3A_59 : i32
      %lt3A = arith.constant 0 : i32
      %lt3A_61 = arith.cmpi slt, %rem3A_58, %lt3A : i32
      %lt3A_62 = arith.constant 0 : i32
      %lt3A_63 = arith.cmpi slt, %select_n3A_57, %lt3A_62 : i32
      %ne3A_64 = arith.xori %lt3A_61, %lt3A_63 : i1
      %and3A_65 = arith.andi %ne3A_64, %ne3A_60 : i1
      %add3A_66 = arith.addi %rem3A_58, %select_n3A_57 : i32
      %select_n3A_67 = arith.select %and3A_65, %add3A_66, %rem3A_58 : i32
      %broadcast_in_dim3A = arith.constant 0.000000e+00 : f32
      %broadcast_in_dim3A_68 = vector.broadcast %broadcast_in_dim3A : f32 to vector<16xf32>
      %mul3A_69 = arith.constant 16 : i32
      %mul3A_70 = arith.muli %select_n3A_67, %mul3A_69 : i32
      %swap3A = arith.index_cast %select_n3A : i32 to index
      %swap3A_71 = arith.index_cast %mul3A_70 : i32 to index
      %swap3A_72 = tpu.vector_load %arg8[%swap3A, %swap3A_71] {strides = array<i32>} : memref<128x128xf32, #tpu.memory_space<vmem>>, vector<1x16xf32>,
      %swap3A_73 = vector.shape_cast %swap3A_72 : vector<1x16xf32> to vector<16xf32>
      %swap3A_74 = vector.shape_cast %broadcast_in_dim3A_68 : vector<16xf32> to vector<1x16xf32>
      tpu.vector_store %arg8[%swap3A, %swap3A_71], %swap3A_74 {strides = array<i32>} : memref<128x128xf32, #tpu.memory_space<vmem>>, vector<1x16xf32>,
    }
    %scan3A_5 = arith.constant 1024 : i32
    %mul3A_6 = arith.constant 640 : i32
    %mul3A_7 = arith.muli %arg1, %mul3A_6 : i32
    %add3A_8 = arith.constant 0 : i32
    %add3A_9 = arith.addi %mul3A_7, %add3A_8 : i32
    "tpu.region"() ({
      %run_scoped3A = tpu.sem_alloc : memref<!tpu.dma_semaphore, #tpu.memory_space<semaphore_mem>>
      %dma_start3A = arith.constant 0 : i32
      %dma_start3A_37 = tpu.memref_slice %arg9[%add3A_9, %dma_start3A] : memref<10240x128xf32, #tpu.memory_space<vmem_shared>> -> memref<128x128xf32, #tpu.memory_space<vmem_shared>>
      %dma_start3A_38 = arith.constant 0 : i32
      %dma_start3A_39 = tpu.memref_slice %arg9[%add3A_9, %dma_start3A_38] : memref<10240x128xf32, #tpu.memory_space<vmem_shared>> -> memref<128x128xf32, #tpu.memory_space<vmem_shared>>
      tpu.enqueue_dma source(%arg8 : memref<128x128xf32, #tpu.memory_space<vmem>>) target(%dma_start3A_39 : memref<128x128xf32, #tpu.memory_space<vmem_shared>>) target_semaphore(%run_scoped3A : memref<!tpu.dma_semaphore, #tpu.memory_space<semaphore_mem>>)
      %dma_wait3A = arith.constant 0 : i32
      %dma_wait3A_40 = tpu.memref_slice %arg9[%add3A_9, %dma_wait3A] : memref<10240x128xf32, #tpu.memory_space<vmem_shared>> -> memref<128x128xf32, #tpu.memory_space<vmem_shared>>
      %dma_wait3A_41 = arith.constant 0 : i32
      %dma_wait3A_42 = tpu.memref_slice %arg9[%add3A_9, %dma_wait3A_41] : memref<10240x128xf32, #tpu.memory_space<vmem_shared>> -> memref<128x128xf32, #tpu.memory_space<vmem_shared>>
      tpu.wait_dma2 semaphore(%run_scoped3A : memref<!tpu.dma_semaphore, #tpu.memory_space<semaphore_mem>>) src(%arg8 : memref<128x128xf32, #tpu.memory_space<vmem>>) dst(%dma_wait3A_42 : memref<128x128xf32, #tpu.memory_space<vmem_shared>>)
      tpu.yield
    }) : () -> ()
    %mul3A_10 = arith.constant 640 : i32
    %mul3A_11 = arith.muli %arg1, %mul3A_10 : i32
    %add3A_12 = arith.constant 128 : i32
    %add3A_13 = arith.addi %mul3A_11, %add3A_12 : i32
    "tpu.region"() ({
      %run_scoped3A = tpu.sem_alloc : memref<!tpu.dma_semaphore, #tpu.memory_space<semaphore_mem>>
      %dma_start3A = arith.constant 0 : i32
      %dma_start3A_37 = tpu.memref_slice %arg9[%add3A_13, %dma_start3A] : memref<10240x128xf32, #tpu.memory_space<vmem_shared>> -> memref<128x128xf32, #tpu.memory_space<vmem_shared>>
      %dma_start3A_38 = arith.constant 0 : i32
      %dma_start3A_39 = tpu.memref_slice %arg9[%add3A_13, %dma_start3A_38] : memref<10240x128xf32, #tpu.memory_space<vmem_shared>> -> memref<128x128xf32, #tpu.memory_space<vmem_shared>>
      tpu.enqueue_dma source(%arg8 : memref<128x128xf32, #tpu.memory_space<vmem>>) target(%dma_start3A_39 : memref<128x128xf32, #tpu.memory_space<vmem_shared>>) target_semaphore(%run_scoped3A : memref<!tpu.dma_semaphore, #tpu.memory_space<semaphore_mem>>)
      %dma_wait3A = arith.constant 0 : i32
      %dma_wait3A_40 = tpu.memref_slice %arg9[%add3A_13, %dma_wait3A] : memref<10240x128xf32, #tpu.memory_space<vmem_shared>> -> memref<128x128xf32, #tpu.memory_space<vmem_shared>>
      %dma_wait3A_41 = arith.constant 0 : i32
      %dma_wait3A_42 = tpu.memref_slice %arg9[%add3A_13, %dma_wait3A_41] : memref<10240x128xf32, #tpu.memory_space<vmem_shared>> -> memref<128x128xf32, #tpu.memory_space<vmem_shared>>
      tpu.wait_dma2 semaphore(%run_scoped3A : memref<!tpu.dma_semaphore, #tpu.memory_space<semaphore_mem>>) src(%arg8 : memref<128x128xf32, #tpu.memory_space<vmem>>) dst(%dma_wait3A_42 : memref<128x128xf32, #tpu.memory_space<vmem_shared>>)
      tpu.yield
    }) : () -> ()
    %mul3A_14 = arith.constant 640 : i32
    %mul3A_15 = arith.muli %arg1, %mul3A_14 : i32
    %add3A_16 = arith.constant 256 : i32
    %add3A_17 = arith.addi %mul3A_15, %add3A_16 : i32
    "tpu.region"() ({
      %run_scoped3A = tpu.sem_alloc : memref<!tpu.dma_semaphore, #tpu.memory_space<semaphore_mem>>
      %dma_start3A = arith.constant 0 : i32
      %dma_start3A_37 = tpu.memref_slice %arg9[%add3A_17, %dma_start3A] : memref<10240x128xf32, #tpu.memory_space<vmem_shared>> -> memref<128x128xf32, #tpu.memory_space<vmem_shared>>
      %dma_start3A_38 = arith.constant 0 : i32
      %dma_start3A_39 = tpu.memref_slice %arg9[%add3A_17, %dma_start3A_38] : memref<10240x128xf32, #tpu.memory_space<vmem_shared>> -> memref<128x128xf32, #tpu.memory_space<vmem_shared>>
      tpu.enqueue_dma source(%arg8 : memref<128x128xf32, #tpu.memory_space<vmem>>) target(%dma_start3A_39 : memref<128x128xf32, #tpu.memory_space<vmem_shared>>) target_semaphore(%run_scoped3A : memref<!tpu.dma_semaphore, #tpu.memory_space<semaphore_mem>>)
      %dma_wait3A = arith.constant 0 : i32
      %dma_wait3A_40 = tpu.memref_slice %arg9[%add3A_17, %dma_wait3A] : memref<10240x128xf32, #tpu.memory_space<vmem_shared>> -> memref<128x128xf32, #tpu.memory_space<vmem_shared>>
      %dma_wait3A_41 = arith.constant 0 : i32
      %dma_wait3A_42 = tpu.memref_slice %arg9[%add3A_17, %dma_wait3A_41] : memref<10240x128xf32, #tpu.memory_space<vmem_shared>> -> memref<128x128xf32, #tpu.memory_space<vmem_shared>>
      tpu.wait_dma2 semaphore(%run_scoped3A : memref<!tpu.dma_semaphore, #tpu.memory_space<semaphore_mem>>) src(%arg8 : memref<128x128xf32, #tpu.memory_space<vmem>>) dst(%dma_wait3A_42 : memref<128x128xf32, #tpu.memory_space<vmem_shared>>)
      tpu.yield
    }) : () -> ()
    %mul3A_18 = arith.constant 640 : i32
    %mul3A_19 = arith.muli %arg1, %mul3A_18 : i32
    %add3A_20 = arith.constant 384 : i32
    %add3A_21 = arith.addi %mul3A_19, %add3A_20 : i32
    "tpu.region"() ({
      %run_scoped3A = tpu.sem_alloc : memref<!tpu.dma_semaphore, #tpu.memory_space<semaphore_mem>>
      %dma_start3A = arith.constant 0 : i32
      %dma_start3A_37 = tpu.memref_slice %arg9[%add3A_21, %dma_start3A] : memref<10240x128xf32, #tpu.memory_space<vmem_shared>> -> memref<128x128xf32, #tpu.memory_space<vmem_shared>>
      %dma_start3A_38 = arith.constant 0 : i32
      %dma_start3A_39 = tpu.memref_slice %arg9[%add3A_21, %dma_start3A_38] : memref<10240x128xf32, #tpu.memory_space<vmem_shared>> -> memref<128x128xf32, #tpu.memory_space<vmem_shared>>
      tpu.enqueue_dma source(%arg8 : memref<128x128xf32, #tpu.memory_space<vmem>>) target(%dma_start3A_39 : memref<128x128xf32, #tpu.memory_space<vmem_shared>>) target_semaphore(%run_scoped3A : memref<!tpu.dma_semaphore, #tpu.memory_space<semaphore_mem>>)
      %dma_wait3A = arith.constant 0 : i32
      %dma_wait3A_40 = tpu.memref_slice %arg9[%add3A_21, %dma_wait3A] : memref<10240x128xf32, #tpu.memory_space<vmem_shared>> -> memref<128x128xf32, #tpu.memory_space<vmem_shared>>
      %dma_wait3A_41 = arith.constant 0 : i32
      %dma_wait3A_42 = tpu.memref_slice %arg9[%add3A_21, %dma_wait3A_41] : memref<10240x128xf32, #tpu.memory_space<vmem_shared>> -> memref<128x128xf32, #tpu.memory_space<vmem_shared>>
      tpu.wait_dma2 semaphore(%run_scoped3A : memref<!tpu.dma_semaphore, #tpu.memory_space<semaphore_mem>>) src(%arg8 : memref<128x128xf32, #tpu.memory_space<vmem>>) dst(%dma_wait3A_42 : memref<128x128xf32, #tpu.memory_space<vmem_shared>>)
      tpu.yield
    }) : () -> ()
    %mul3A_22 = arith.constant 640 : i32
    %mul3A_23 = arith.muli %arg1, %mul3A_22 : i32
    %add3A_24 = arith.constant 512 : i32
    %add3A_25 = arith.addi %mul3A_23, %add3A_24 : i32
    "tpu.region"() ({
      %run_scoped3A = tpu.sem_alloc : memref<!tpu.dma_semaphore, #tpu.memory_space<semaphore_mem>>
      %dma_start3A = arith.constant 0 : i32
      %dma_start3A_37 = tpu.memref_slice %arg9[%add3A_25, %dma_start3A] : memref<10240x128xf32, #tpu.memory_space<vmem_shared>> -> memref<128x128xf32, #tpu.memory_space<vmem_shared>>
      %dma_start3A_38 = arith.constant 0 : i32
      %dma_start3A_39 = tpu.memref_slice %arg9[%add3A_25, %dma_start3A_38] : memref<10240x128xf32, #tpu.memory_space<vmem_shared>> -> memref<128x128xf32, #tpu.memory_space<vmem_shared>>
      tpu.enqueue_dma source(%arg8 : memref<128x128xf32, #tpu.memory_space<vmem>>) target(%dma_start3A_39 : memref<128x128xf32, #tpu.memory_space<vmem_shared>>) target_semaphore(%run_scoped3A : memref<!tpu.dma_semaphore, #tpu.memory_space<semaphore_mem>>)
      %dma_wait3A = arith.constant 0 : i32
      %dma_wait3A_40 = tpu.memref_slice %arg9[%add3A_25, %dma_wait3A] : memref<10240x128xf32, #tpu.memory_space<vmem_shared>> -> memref<128x128xf32, #tpu.memory_space<vmem_shared>>
      %dma_wait3A_41 = arith.constant 0 : i32
      %dma_wait3A_42 = tpu.memref_slice %arg9[%add3A_25, %dma_wait3A_41] : memref<10240x128xf32, #tpu.memory_space<vmem_shared>> -> memref<128x128xf32, #tpu.memory_space<vmem_shared>>
      tpu.wait_dma2 semaphore(%run_scoped3A : memref<!tpu.dma_semaphore, #tpu.memory_space<semaphore_mem>>) src(%arg8 : memref<128x128xf32, #tpu.memory_space<vmem>>) dst(%dma_wait3A_42 : memref<128x128xf32, #tpu.memory_space<vmem_shared>>)
      tpu.yield
    }) : () -> ()
    %barrier3A = arith.constant 0 : index
    tpu.barrier barrier_id(%barrier3A)
    %scan3A_26 = arith.constant 0 : i32
    %scan3A_27 = arith.constant 0 : i32
    %scan3A_28 = arith.constant 79 : i32
    %scan3A_29 = arith.addi %scan3A_27, %scan3A_28 : i32
    %scan3A_30 = arith.constant 1 : i32
    scf.for %scan3A_37 = %scan3A_27 to %scan3A_29 step %scan3A_30  : i32 {
      %mul3A_38 = arith.constant 10112 : i32
      %mul3A_39 = arith.muli %add3A, %mul3A_38 : i32
      %mul3A_40 = arith.constant 128 : i32
      %mul3A_41 = arith.muli %scan3A_37, %mul3A_40 : i32
      %add3A_42 = arith.addi %mul3A_39, %mul3A_41 : i32
      %multiple_of3A = tpu.assume_multiple %add3A_42, 128 : i32
      "tpu.region"() ({
        %run_scoped3A = tpu.sem_alloc : memref<!tpu.dma_semaphore, #tpu.memory_space<semaphore_mem>>
        %dma_start3A_47 = tpu.memref_slice %arg3[%multiple_of3A] : memref<323584xi32, #tpu.memory_space<hbm>> -> memref<128xi32, #tpu.memory_space<hbm>>
        %dma_start3A_48 = tpu.memref_slice %arg3[%multiple_of3A] : memref<323584xi32, #tpu.memory_space<hbm>> -> memref<128xi32, #tpu.memory_space<hbm>>
        tpu.enqueue_dma source(%dma_start3A_48 : memref<128xi32, #tpu.memory_space<hbm>>) target(%arg6 : memref<128xi32, #tpu.memory_space<vmem>>) target_semaphore(%run_scoped3A : memref<!tpu.dma_semaphore, #tpu.memory_space<semaphore_mem>>)
        %dma_wait3A_49 = tpu.memref_slice %arg3[%multiple_of3A] : memref<323584xi32, #tpu.memory_space<hbm>> -> memref<128xi32, #tpu.memory_space<hbm>>
        %dma_wait3A_50 = tpu.memref_slice %arg3[%multiple_of3A] : memref<323584xi32, #tpu.memory_space<hbm>> -> memref<128xi32, #tpu.memory_space<hbm>>
        tpu.wait_dma2 semaphore(%run_scoped3A : memref<!tpu.dma_semaphore, #tpu.memory_space<semaphore_mem>>) src(%dma_wait3A_50 : memref<128xi32, #tpu.memory_space<hbm>>) dst(%arg6 : memref<128xi32, #tpu.memory_space<vmem>>)
        tpu.yield
      }) : () -> ()
      "tpu.region"() ({
        %run_scoped3A = tpu.sem_alloc : memref<!tpu.dma_semaphore, #tpu.memory_space<semaphore_mem>>
        %dma_start3A_47 = tpu.memref_slice %arg4[%multiple_of3A] : memref<323584xi32, #tpu.memory_space<hbm>> -> memref<128xi32, #tpu.memory_space<hbm>>
        %dma_start3A_48 = tpu.memref_slice %arg4[%multiple_of3A] : memref<323584xi32, #tpu.memory_space<hbm>> -> memref<128xi32, #tpu.memory_space<hbm>>
        tpu.enqueue_dma source(%dma_start3A_48 : memref<128xi32, #tpu.memory_space<hbm>>) target(%arg7 : memref<128xi32, #tpu.memory_space<vmem>>) target_semaphore(%run_scoped3A : memref<!tpu.dma_semaphore, #tpu.memory_space<semaphore_mem>>)
        %dma_wait3A_49 = tpu.memref_slice %arg4[%multiple_of3A] : memref<323584xi32, #tpu.memory_space<hbm>> -> memref<128xi32, #tpu.memory_space<hbm>>
        %dma_wait3A_50 = tpu.memref_slice %arg4[%multiple_of3A] : memref<323584xi32, #tpu.memory_space<hbm>> -> memref<128xi32, #tpu.memory_space<hbm>>
        tpu.wait_dma2 semaphore(%run_scoped3A : memref<!tpu.dma_semaphore, #tpu.memory_space<semaphore_mem>>) src(%dma_wait3A_50 : memref<128xi32, #tpu.memory_space<hbm>>) dst(%arg7 : memref<128xi32, #tpu.memory_space<vmem>>)
        tpu.yield
      }) : () -> ()
      %dma_start3A = arith.constant 0 : i32
      %dma_start3A_43 = arith.constant 0 : i32
      %dma_start3A_44 = tpu.memref_slice %arg2[%dma_start3A, %dma_start3A_43] : memref<10240x128xf32, #tpu.memory_space<hbm>> -> memref<10240x128xf32, #tpu.memory_space<hbm>>
      tpu.enqueue_indirect_dma source(%dma_start3A_44 : memref<10240x128xf32, #tpu.memory_space<hbm>>) target(%arg8 : memref<128x128xf32, #tpu.memory_space<vmem>>) offsets(%arg6 : memref<128xi32, #tpu.memory_space<vmem>>) semaphore(%arg10 : memref<!tpu.dma_semaphore, #tpu.memory_space<semaphore_mem>>)
      %dma_wait3A = arith.constant 0 : i32
      %dma_wait3A_45 = arith.constant 0 : i32
      %dma_wait3A_46 = tpu.memref_slice %arg2[%dma_wait3A, %dma_wait3A_45] : memref<10240x128xf32, #tpu.memory_space<hbm>> -> memref<10240x128xf32, #tpu.memory_space<hbm>>
      tpu.wait_indirect_dma semaphore(%arg10 : memref<!tpu.dma_semaphore, #tpu.memory_space<semaphore_mem>>) src(%dma_wait3A_46 : memref<10240x128xf32, #tpu.memory_space<hbm>>) dst(%arg8 : memref<128x128xf32, #tpu.memory_space<vmem>>)
      "tpu.region"() ({
        %run_scoped3A = tpu.sem_alloc : memref<!tpu.dma_semaphore, #tpu.memory_space<semaphore_mem>>
        %dma_start3A_47 = arith.constant 0 : i32
        %dma_start3A_48 = arith.constant 0 : i32
        %dma_start3A_49 = tpu.memref_slice %arg9[%dma_start3A_47, %dma_start3A_48] : memref<10240x128xf32, #tpu.memory_space<vmem_shared>> -> memref<10240x128xf32, #tpu.memory_space<vmem_shared>>
        tpu.enqueue_indirect_dma source(%arg8 : memref<128x128xf32, #tpu.memory_space<vmem>>) target(%dma_start3A_49 : memref<10240x128xf32, #tpu.memory_space<vmem_shared>>) offsets(%arg7 : memref<128xi32, #tpu.memory_space<vmem>>) semaphore(%run_scoped3A : memref<!tpu.dma_semaphore, #tpu.memory_space<semaphore_mem>>) {add = true}
        %dma_wait3A_50 = arith.constant 0 : i32
        %dma_wait3A_51 = arith.constant 0 : i32
        %dma_wait3A_52 = tpu.memref_slice %arg9[%dma_wait3A_50, %dma_wait3A_51] : memref<10240x128xf32, #tpu.memory_space<vmem_shared>> -> memref<10240x128xf32, #tpu.memory_space<vmem_shared>>
        tpu.wait_indirect_dma semaphore(%run_scoped3A : memref<!tpu.dma_semaphore, #tpu.memory_space<semaphore_mem>>) src(%arg8 : memref<128x128xf32, #tpu.memory_space<vmem>>) dst(%dma_wait3A_52 : memref<10240x128xf32, #tpu.memory_space<vmem_shared>>)
        tpu.yield
      }) : () -> ()
    }
    %scan3A_31 = arith.constant 79 : i32
    %barrier3A_32 = arith.constant 0 : index
    tpu.barrier barrier_id(%barrier3A_32)
    %mul3A_33 = arith.constant 640 : i32
    %mul3A_34 = arith.muli %arg1, %mul3A_33 : i32
    %mul3A_35 = arith.constant 640 : i32
    %mul3A_36 = arith.muli %arg1, %mul3A_35 : i32
    "tpu.region"() ({
      %run_scoped3A = tpu.sem_alloc : memref<!tpu.dma_semaphore, #tpu.memory_space<semaphore_mem>>
      %dma_start3A = arith.constant 0 : i32
      %dma_start3A_37 = tpu.memref_slice %arg5[%arg0, %mul3A_36, %dma_start3A] : memref<2x10240x128xf32, #tpu.memory_space<hbm>> -> memref<1x640x128xf32, #tpu.memory_space<hbm>>
      %dma_start3A_38 = tpu.memref_squeeze %dma_start3A_37 : memref<1x640x128xf32, #tpu.memory_space<hbm>> -> memref<640x128xf32, #tpu.memory_space<hbm>>
      %dma_start3A_39 = arith.constant 0 : i32
      %dma_start3A_40 = tpu.memref_slice %arg9[%mul3A_34, %dma_start3A_39] : memref<10240x128xf32, #tpu.memory_space<vmem_shared>> -> memref<640x128xf32, #tpu.memory_space<vmem_shared>>
      tpu.enqueue_dma source(%dma_start3A_40 : memref<640x128xf32, #tpu.memory_space<vmem_shared>>) target(%dma_start3A_38 : memref<640x128xf32, #tpu.memory_space<hbm>>) target_semaphore(%run_scoped3A : memref<!tpu.dma_semaphore, #tpu.memory_space<semaphore_mem>>)
      %dma_wait3A = arith.constant 0 : i32
      %dma_wait3A_41 = tpu.memref_slice %arg5[%arg0, %mul3A_36, %dma_wait3A] : memref<2x10240x128xf32, #tpu.memory_space<hbm>> -> memref<1x640x128xf32, #tpu.memory_space<hbm>>
      %dma_wait3A_42 = tpu.memref_squeeze %dma_wait3A_41 : memref<1x640x128xf32, #tpu.memory_space<hbm>> -> memref<640x128xf32, #tpu.memory_space<hbm>>
      %dma_wait3A_43 = arith.constant 0 : i32
      %dma_wait3A_44 = tpu.memref_slice %arg9[%mul3A_34, %dma_wait3A_43] : memref<10240x128xf32, #tpu.memory_space<vmem_shared>> -> memref<640x128xf32, #tpu.memory_space<vmem_shared>>
      tpu.wait_dma2 semaphore(%run_scoped3A : memref<!tpu.dma_semaphore, #tpu.memory_space<semaphore_mem>>) src(%dma_wait3A_44 : memref<640x128xf32, #tpu.memory_space<vmem_shared>>) dst(%dma_wait3A_42 : memref<640x128xf32, #tpu.memory_space<hbm>>)
      tpu.yield
    }) : () -> ()
    return
  }
}

module attributes {stable_mosaic.version = 14 : i64} {
  func.func @_dense0_body(%arg0: i32, %arg1: memref<1280x128xf32, #tpu.memory_space<vmem>>, %arg2: memref<1280x1xf32, #tpu.memory_space<vmem>>, %arg3: memref<1280x1xf32, #tpu.memory_space<vmem>>, %arg4: memref<128x128xf32, #tpu.memory_space<vmem>>, %arg5: memref<1x128xf32, #tpu.memory_space<vmem>>, %arg6: memref<1x128xf32, #tpu.memory_space<vmem>>, %arg7: memref<1x128xf32, #tpu.memory_space<vmem>>, %arg8: memref<128x128xf32, #tpu.memory_space<vmem>>, %arg9: memref<1x128xf32, #tpu.memory_space<vmem>>, %arg10: memref<1x128xf32, #tpu.memory_space<vmem>>, %arg11: memref<1x128xf32, #tpu.memory_space<vmem>>, %arg12: memref<128x128xf32, #tpu.memory_space<vmem>>, %arg13: memref<1280x128xf32, #tpu.memory_space<vmem>>, %arg14: memref<1280x1xf32, #tpu.memory_space<vmem>>) attributes {dimension_semantics = [#tpu.dimension_semantics<arbitrary>], iteration_bounds = array<i64: 8>, scalar_prefetch = 0 : i64, scratch_operands = 0 : i64, tpu.core_type = #tpu.core_type<tc>, window_params = [{transform_indices = @transform_0, window_bounds = array<i64: 1280, 128>}, {transform_indices = @transform_1, window_bounds = array<i64: 1280, 1>}, {transform_indices = @transform_2, window_bounds = array<i64: 1280, 1>}, {pipeline_mode = #tpu.pipeline_mode<synchronous>, transform_indices = @transform_3, window_bounds = array<i64: 128, 128>}, {pipeline_mode = #tpu.pipeline_mode<synchronous>, transform_indices = @transform_4, window_bounds = array<i64: 1, 128>}, {pipeline_mode = #tpu.pipeline_mode<synchronous>, transform_indices = @transform_5, window_bounds = array<i64: 1, 128>}, {pipeline_mode = #tpu.pipeline_mode<synchronous>, transform_indices = @transform_6, window_bounds = array<i64: 1, 128>}, {pipeline_mode = #tpu.pipeline_mode<synchronous>, transform_indices = @transform_7, window_bounds = array<i64: 128, 128>}, {pipeline_mode = #tpu.pipeline_mode<synchronous>, transform_indices = @transform_8, window_bounds = array<i64: 1, 128>}, {pipeline_mode = #tpu.pipeline_mode<synchronous>, transform_indices = @transform_9, window_bounds = array<i64: 1, 128>}, {pipeline_mode = #tpu.pipeline_mode<synchronous>, transform_indices = @transform_10, window_bounds = array<i64: 1, 128>}, {pipeline_mode = #tpu.pipeline_mode<synchronous>, transform_indices = @transform_11, window_bounds = array<i64: 128, 128>}, {transform_indices = @transform_12, window_bounds = array<i64: 1280, 128>}, {transform_indices = @transform_13, window_bounds = array<i64: 1280, 1>}]} {
    %get3A = arith.constant 0 : index
    %get3A_0 = arith.constant 0 : index
    %get3A_1 = vector.load %arg2[%get3A, %get3A_0] : memref<1280x1xf32, #tpu.memory_space<vmem>>, vector<1280x1xf32>
    %get3A_2 = arith.constant 0 : index
    %get3A_3 = arith.constant 0 : index
    %get3A_4 = vector.load %arg3[%get3A_2, %get3A_3] : memref<1280x1xf32, #tpu.memory_space<vmem>>, vector<1280x1xf32>
    %add3A = arith.addf %get3A_1, %get3A_4 : vector<1280x1xf32>
    %add3A_5 = arith.constant 1.000000e+00 : f32
    %add3A_6 = vector.broadcast %add3A_5 : f32 to vector<1280x1xf32>
    %add3A_7 = arith.addf %add3A, %add3A_6 : vector<1280x1xf32>
    %rsqrt3A = math.rsqrt %add3A_7 : vector<1280x1xf32>
    %get3A_8 = arith.constant 0 : index
    %get3A_9 = arith.constant 0 : index
    %get3A_10 = vector.load %arg1[%get3A_8, %get3A_9] : memref<1280x128xf32, #tpu.memory_space<vmem>>, vector<1280x128xf32>
    %get3A_11 = arith.constant 0 : index
    %get3A_12 = arith.constant 0 : index
    %get3A_13 = vector.load %arg4[%get3A_11, %get3A_12] : memref<128x128xf32, #tpu.memory_space<vmem>>, vector<128x128xf32>
    %dot_general3A = arith.constant dense<0.000000e+00> : vector<1280x128xf32>
    %dot_general3A_14 = tpu.matmul %get3A_10, %get3A_13, %dot_general3A {dimension_numbers = #tpu.dot_dimension_numbers<[1], [0], [0], [1], [0, 0, 1, 1], [], []>, transpose_lhs_hint = false} : vector<1280x128xf32>, vector<128x128xf32>, vector<1280x128xf32> -> vector<1280x128xf32>
    %get3A_15 = arith.constant 0 : index
    %get3A_16 = arith.constant 0 : index
    %get3A_17 = vector.load %arg5[%get3A_15, %get3A_16] : memref<1x128xf32, #tpu.memory_space<vmem>>, vector<1x128xf32>
    %add3A_18 = vector.broadcast %get3A_17 : vector<1x128xf32> to vector<1280x128xf32>
    %add3A_19 = arith.addf %dot_general3A_14, %add3A_18 : vector<1280x128xf32>
    %get3A_20 = arith.constant 0 : index
    %get3A_21 = arith.constant 0 : index
    %get3A_22 = vector.load %arg6[%get3A_20, %get3A_21] : memref<1x128xf32, #tpu.memory_space<vmem>>, vector<1x128xf32>
    %mul3A = vector.broadcast %get3A_22 : vector<1x128xf32> to vector<1280x128xf32>
    %mul3A_23 = arith.mulf %add3A_19, %mul3A : vector<1280x128xf32>
    %get3A_24 = arith.constant 0 : index
    %get3A_25 = arith.constant 0 : index
    %get3A_26 = vector.load %arg7[%get3A_24, %get3A_25] : memref<1x128xf32, #tpu.memory_space<vmem>>, vector<1x128xf32>
    %add3A_27 = vector.broadcast %get3A_26 : vector<1x128xf32> to vector<1280x128xf32>
    %add3A_28 = arith.addf %mul3A_23, %add3A_27 : vector<1280x128xf32>
    %max3A = arith.constant 0.000000e+00 : f32
    %max3A_29 = vector.broadcast %max3A : f32 to vector<1280x128xf32>
    %max3A_30 = arith.maximumf %add3A_28, %max3A_29 : vector<1280x128xf32>
    %get3A_31 = arith.constant 0 : index
    %get3A_32 = arith.constant 0 : index
    %get3A_33 = vector.load %arg8[%get3A_31, %get3A_32] : memref<128x128xf32, #tpu.memory_space<vmem>>, vector<128x128xf32>
    %dot_general3A_34 = arith.constant dense<0.000000e+00> : vector<1280x128xf32>
    %dot_general3A_35 = tpu.matmul %max3A_30, %get3A_33, %dot_general3A_34 {dimension_numbers = #tpu.dot_dimension_numbers<[1], [0], [0], [1], [0, 0, 1, 1], [], []>, transpose_lhs_hint = false} : vector<1280x128xf32>, vector<128x128xf32>, vector<1280x128xf32> -> vector<1280x128xf32>
    %get3A_36 = arith.constant 0 : index
    %get3A_37 = arith.constant 0 : index
    %get3A_38 = vector.load %arg9[%get3A_36, %get3A_37] : memref<1x128xf32, #tpu.memory_space<vmem>>, vector<1x128xf32>
    %add3A_39 = vector.broadcast %get3A_38 : vector<1x128xf32> to vector<1280x128xf32>
    %add3A_40 = arith.addf %dot_general3A_35, %add3A_39 : vector<1280x128xf32>
    %get3A_41 = arith.constant 0 : index
    %get3A_42 = arith.constant 0 : index
    %get3A_43 = vector.load %arg10[%get3A_41, %get3A_42] : memref<1x128xf32, #tpu.memory_space<vmem>>, vector<1x128xf32>
    %mul3A_44 = vector.broadcast %get3A_43 : vector<1x128xf32> to vector<1280x128xf32>
    %mul3A_45 = arith.mulf %add3A_40, %mul3A_44 : vector<1280x128xf32>
    %get3A_46 = arith.constant 0 : index
    %get3A_47 = arith.constant 0 : index
    %get3A_48 = vector.load %arg11[%get3A_46, %get3A_47] : memref<1x128xf32, #tpu.memory_space<vmem>>, vector<1x128xf32>
    %add3A_49 = vector.broadcast %get3A_48 : vector<1x128xf32> to vector<1280x128xf32>
    %add3A_50 = arith.addf %mul3A_45, %add3A_49 : vector<1280x128xf32>
    %max3A_51 = arith.constant 0.000000e+00 : f32
    %max3A_52 = vector.broadcast %max3A_51 : f32 to vector<1280x128xf32>
    %max3A_53 = arith.maximumf %add3A_50, %max3A_52 : vector<1280x128xf32>
    %get3A_54 = arith.constant 0 : index
    %get3A_55 = arith.constant 0 : index
    %get3A_56 = vector.load %arg12[%get3A_54, %get3A_55] : memref<128x128xf32, #tpu.memory_space<vmem>>, vector<128x128xf32>
    %dot_general3A_57 = arith.constant dense<0.000000e+00> : vector<1280x128xf32>
    %dot_general3A_58 = tpu.matmul %max3A_53, %get3A_56, %dot_general3A_57 {dimension_numbers = #tpu.dot_dimension_numbers<[1], [0], [0], [1], [0, 0, 1, 1], [], []>, transpose_lhs_hint = false} : vector<1280x128xf32>, vector<128x128xf32>, vector<1280x128xf32> -> vector<1280x128xf32>
    %mul3A_59 = vector.broadcast %rsqrt3A : vector<1280x1xf32> to vector<1280x128xf32>
    %mul3A_60 = arith.mulf %dot_general3A_58, %mul3A_59 : vector<1280x128xf32>
    %swap3A = arith.constant 0 : index
    %swap3A_61 = arith.constant 0 : index
    %swap3A_62 = vector.load %arg13[%swap3A, %swap3A_61] : memref<1280x128xf32, #tpu.memory_space<vmem>>, vector<1280x128xf32>
    tpu.vector_store %arg13[%swap3A, %swap3A_61], %mul3A_60 {strides = array<i32>} : memref<1280x128xf32, #tpu.memory_space<vmem>>, vector<1280x128xf32>,
    %swap3A_63 = arith.constant 0 : index
    %swap3A_64 = arith.constant 0 : index
    %swap3A_65 = vector.load %arg14[%swap3A_63, %swap3A_64] : memref<1280x1xf32, #tpu.memory_space<vmem>>, vector<1280x1xf32>
    tpu.vector_store %arg14[%swap3A_63, %swap3A_64], %rsqrt3A {strides = array<i32>} : memref<1280x1xf32, #tpu.memory_space<vmem>>, vector<1280x1xf32>,
    return
  }
  func.func @transform_0(%arg0: i32) -> (i32, i32) {
    %c0_i32 = arith.constant 0 : i32
    %c0_i32_0 = arith.constant 0 : i32
    return %arg0, %c0_i32 : i32, i32
  }
  func.func @transform_1(%arg0: i32) -> (i32, i32) {
    %c0_i32 = arith.constant 0 : i32
    %c0_i32_0 = arith.constant 0 : i32
    return %arg0, %c0_i32 : i32, i32
  }
  func.func @transform_2(%arg0: i32) -> (i32, i32) {
    %c0_i32 = arith.constant 0 : i32
    %c0_i32_0 = arith.constant 0 : i32
    return %arg0, %c0_i32 : i32, i32
  }
  func.func @transform_3(%arg0: i32) -> (i32, i32) {
    %c0_i32 = arith.constant 0 : i32
    %c0_i32_0 = arith.constant 0 : i32
    %c0_i32_1 = arith.constant 0 : i32
    return %c0_i32, %c0_i32_0 : i32, i32
  }
  func.func @transform_4(%arg0: i32) -> (i32, i32) {
    %c0_i32 = arith.constant 0 : i32
    %c0_i32_0 = arith.constant 0 : i32
    %c0_i32_1 = arith.constant 0 : i32
    return %c0_i32, %c0_i32_0 : i32, i32
  }
  func.func @transform_5(%arg0: i32) -> (i32, i32) {
    %c0_i32 = arith.constant 0 : i32
    %c0_i32_0 = arith.constant 0 : i32
    %c0_i32_1 = arith.constant 0 : i32
    return %c0_i32, %c0_i32_0 : i32, i32
  }
  func.func @transform_6(%arg0: i32) -> (i32, i32) {
    %c0_i32 = arith.constant 0 : i32
    %c0_i32_0 = arith.constant 0 : i32
    %c0_i32_1 = arith.constant 0 : i32
    return %c0_i32, %c0_i32_0 : i32, i32
  }
  func.func @transform_7(%arg0: i32) -> (i32, i32) {
    %c0_i32 = arith.constant 0 : i32
    %c0_i32_0 = arith.constant 0 : i32
    %c0_i32_1 = arith.constant 0 : i32
    return %c0_i32, %c0_i32_0 : i32, i32
  }
  func.func @transform_8(%arg0: i32) -> (i32, i32) {
    %c0_i32 = arith.constant 0 : i32
    %c0_i32_0 = arith.constant 0 : i32
    %c0_i32_1 = arith.constant 0 : i32
    return %c0_i32, %c0_i32_0 : i32, i32
  }
  func.func @transform_9(%arg0: i32) -> (i32, i32) {
    %c0_i32 = arith.constant 0 : i32
    %c0_i32_0 = arith.constant 0 : i32
    %c0_i32_1 = arith.constant 0 : i32
    return %c0_i32, %c0_i32_0 : i32, i32
  }
  func.func @transform_10(%arg0: i32) -> (i32, i32) {
    %c0_i32 = arith.constant 0 : i32
    %c0_i32_0 = arith.constant 0 : i32
    %c0_i32_1 = arith.constant 0 : i32
    return %c0_i32, %c0_i32_0 : i32, i32
  }
  func.func @transform_11(%arg0: i32) -> (i32, i32) {
    %c0_i32 = arith.constant 0 : i32
    %c0_i32_0 = arith.constant 0 : i32
    %c0_i32_1 = arith.constant 0 : i32
    return %c0_i32, %c0_i32_0 : i32, i32
  }
  func.func @transform_12(%arg0: i32) -> (i32, i32) {
    %c0_i32 = arith.constant 0 : i32
    %c0_i32_0 = arith.constant 0 : i32
    return %arg0, %c0_i32 : i32, i32
  }
  func.func @transform_13(%arg0: i32) -> (i32, i32) {
    %c0_i32 = arith.constant 0 : i32
    %c0_i32_0 = arith.constant 0 : i32
    return %arg0, %c0_i32 : i32, i32
  }
}

module attributes {stable_mosaic.version = 14 : i64} {
  func.func @_mid_body(%arg0: i32, %arg1: memref<1280x128xf32, #tpu.memory_space<vmem>>, %arg2: memref<1280x128xf32, #tpu.memory_space<vmem>>, %arg3: memref<1280x128xf32, #tpu.memory_space<vmem>>, %arg4: memref<1280x1xf32, #tpu.memory_space<vmem>>, %arg5: memref<1x128xf32, #tpu.memory_space<vmem>>, %arg6: memref<1x128xf32, #tpu.memory_space<vmem>>, %arg7: memref<1x128xf32, #tpu.memory_space<vmem>>, %arg8: memref<128x128xf32, #tpu.memory_space<vmem>>, %arg9: memref<1280x128xf32, #tpu.memory_space<vmem>>) attributes {dimension_semantics = [#tpu.dimension_semantics<arbitrary>], iteration_bounds = array<i64: 8>, scalar_prefetch = 0 : i64, scratch_operands = 0 : i64, tpu.core_type = #tpu.core_type<tc>, window_params = [{transform_indices = @transform_0, window_bounds = array<i64: 1280, 128>}, {transform_indices = @transform_1, window_bounds = array<i64: 1280, 128>}, {transform_indices = @transform_2, window_bounds = array<i64: 1280, 128>}, {transform_indices = @transform_3, window_bounds = array<i64: 1280, 1>}, {pipeline_mode = #tpu.pipeline_mode<synchronous>, transform_indices = @transform_4, window_bounds = array<i64: 1, 128>}, {pipeline_mode = #tpu.pipeline_mode<synchronous>, transform_indices = @transform_5, window_bounds = array<i64: 1, 128>}, {pipeline_mode = #tpu.pipeline_mode<synchronous>, transform_indices = @transform_6, window_bounds = array<i64: 1, 128>}, {pipeline_mode = #tpu.pipeline_mode<synchronous>, transform_indices = @transform_7, window_bounds = array<i64: 128, 128>}, {transform_indices = @transform_8, window_bounds = array<i64: 1280, 128>}]} {
    %get3A = arith.constant 0 : index
    %get3A_0 = arith.constant 0 : index
    %get3A_1 = vector.load %arg1[%get3A, %get3A_0] : memref<1280x128xf32, #tpu.memory_space<vmem>>, vector<1280x128xf32>
    %get3A_2 = arith.constant 0 : index
    %get3A_3 = arith.constant 0 : index
    %get3A_4 = vector.load %arg2[%get3A_2, %get3A_3] : memref<1280x128xf32, #tpu.memory_space<vmem>>, vector<1280x128xf32>
    %add3A = arith.addf %get3A_1, %get3A_4 : vector<1280x128xf32>
    %get3A_5 = arith.constant 0 : index
    %get3A_6 = arith.constant 0 : index
    %get3A_7 = vector.load %arg3[%get3A_5, %get3A_6] : memref<1280x128xf32, #tpu.memory_space<vmem>>, vector<1280x128xf32>
    %add3A_8 = arith.addf %add3A, %get3A_7 : vector<1280x128xf32>
    %get3A_9 = arith.constant 0 : index
    %get3A_10 = arith.constant 0 : index
    %get3A_11 = vector.load %arg4[%get3A_9, %get3A_10] : memref<1280x1xf32, #tpu.memory_space<vmem>>, vector<1280x1xf32>
    %mul3A = vector.broadcast %get3A_11 : vector<1280x1xf32> to vector<1280x128xf32>
    %mul3A_12 = arith.mulf %add3A_8, %mul3A : vector<1280x128xf32>
    %get3A_13 = arith.constant 0 : index
    %get3A_14 = arith.constant 0 : index
    %get3A_15 = vector.load %arg5[%get3A_13, %get3A_14] : memref<1x128xf32, #tpu.memory_space<vmem>>, vector<1x128xf32>
    %add3A_16 = vector.broadcast %get3A_15 : vector<1x128xf32> to vector<1280x128xf32>
    %add3A_17 = arith.addf %mul3A_12, %add3A_16 : vector<1280x128xf32>
    %get3A_18 = arith.constant 0 : index
    %get3A_19 = arith.constant 0 : index
    %get3A_20 = vector.load %arg6[%get3A_18, %get3A_19] : memref<1x128xf32, #tpu.memory_space<vmem>>, vector<1x128xf32>
    %mul3A_21 = vector.broadcast %get3A_20 : vector<1x128xf32> to vector<1280x128xf32>
    %mul3A_22 = arith.mulf %add3A_17, %mul3A_21 : vector<1280x128xf32>
    %get3A_23 = arith.constant 0 : index
    %get3A_24 = arith.constant 0 : index
    %get3A_25 = vector.load %arg7[%get3A_23, %get3A_24] : memref<1x128xf32, #tpu.memory_space<vmem>>, vector<1x128xf32>
    %add3A_26 = vector.broadcast %get3A_25 : vector<1x128xf32> to vector<1280x128xf32>
    %add3A_27 = arith.addf %mul3A_22, %add3A_26 : vector<1280x128xf32>
    %max3A = arith.constant 0.000000e+00 : f32
    %max3A_28 = vector.broadcast %max3A : f32 to vector<1280x128xf32>
    %max3A_29 = arith.maximumf %add3A_27, %max3A_28 : vector<1280x128xf32>
    %get3A_30 = arith.constant 0 : index
    %get3A_31 = arith.constant 0 : index
    %get3A_32 = vector.load %arg8[%get3A_30, %get3A_31] : memref<128x128xf32, #tpu.memory_space<vmem>>, vector<128x128xf32>
    %dot_general3A = arith.constant dense<0.000000e+00> : vector<1280x128xf32>
    %dot_general3A_33 = tpu.matmul %max3A_29, %get3A_32, %dot_general3A {dimension_numbers = #tpu.dot_dimension_numbers<[1], [0], [0], [1], [0, 0, 1, 1], [], []>, transpose_lhs_hint = false} : vector<1280x128xf32>, vector<128x128xf32>, vector<1280x128xf32> -> vector<1280x128xf32>
    %get3A_34 = arith.constant 0 : index
    %get3A_35 = arith.constant 0 : index
    %get3A_36 = vector.load %arg4[%get3A_34, %get3A_35] : memref<1280x1xf32, #tpu.memory_space<vmem>>, vector<1280x1xf32>
    %mul3A_37 = vector.broadcast %get3A_36 : vector<1280x1xf32> to vector<1280x128xf32>
    %mul3A_38 = arith.mulf %dot_general3A_33, %mul3A_37 : vector<1280x128xf32>
    %swap3A = arith.constant 0 : index
    %swap3A_39 = arith.constant 0 : index
    %swap3A_40 = vector.load %arg9[%swap3A, %swap3A_39] : memref<1280x128xf32, #tpu.memory_space<vmem>>, vector<1280x128xf32>
    tpu.vector_store %arg9[%swap3A, %swap3A_39], %mul3A_38 {strides = array<i32>} : memref<1280x128xf32, #tpu.memory_space<vmem>>, vector<1280x128xf32>,
    return
  }
  func.func @transform_0(%arg0: i32) -> (i32, i32) {
    %c0_i32 = arith.constant 0 : i32
    %c0_i32_0 = arith.constant 0 : i32
    return %arg0, %c0_i32 : i32, i32
  }
  func.func @transform_1(%arg0: i32) -> (i32, i32) {
    %c0_i32 = arith.constant 0 : i32
    %c0_i32_0 = arith.constant 0 : i32
    return %arg0, %c0_i32 : i32, i32
  }
  func.func @transform_2(%arg0: i32) -> (i32, i32) {
    %c0_i32 = arith.constant 0 : i32
    %c0_i32_0 = arith.constant 0 : i32
    return %arg0, %c0_i32 : i32, i32
  }
  func.func @transform_3(%arg0: i32) -> (i32, i32) {
    %c0_i32 = arith.constant 0 : i32
    %c0_i32_0 = arith.constant 0 : i32
    return %arg0, %c0_i32 : i32, i32
  }
  func.func @transform_4(%arg0: i32) -> (i32, i32) {
    %c0_i32 = arith.constant 0 : i32
    %c0_i32_0 = arith.constant 0 : i32
    %c0_i32_1 = arith.constant 0 : i32
    return %c0_i32, %c0_i32_0 : i32, i32
  }
  func.func @transform_5(%arg0: i32) -> (i32, i32) {
    %c0_i32 = arith.constant 0 : i32
    %c0_i32_0 = arith.constant 0 : i32
    %c0_i32_1 = arith.constant 0 : i32
    return %c0_i32, %c0_i32_0 : i32, i32
  }
  func.func @transform_6(%arg0: i32) -> (i32, i32) {
    %c0_i32 = arith.constant 0 : i32
    %c0_i32_0 = arith.constant 0 : i32
    %c0_i32_1 = arith.constant 0 : i32
    return %c0_i32, %c0_i32_0 : i32, i32
  }
  func.func @transform_7(%arg0: i32) -> (i32, i32) {
    %c0_i32 = arith.constant 0 : i32
    %c0_i32_0 = arith.constant 0 : i32
    %c0_i32_1 = arith.constant 0 : i32
    return %c0_i32, %c0_i32_0 : i32, i32
  }
  func.func @transform_8(%arg0: i32) -> (i32, i32) {
    %c0_i32 = arith.constant 0 : i32
    %c0_i32_0 = arith.constant 0 : i32
    return %arg0, %c0_i32 : i32, i32
  }
}

module attributes {stable_mosaic.version = 14 : i64} {
  func.func @_final_body(%arg0: i32, %arg1: memref<1280x128xf32, #tpu.memory_space<vmem>>, %arg2: memref<1280x128xf32, #tpu.memory_space<vmem>>, %arg3: memref<1280x128xf32, #tpu.memory_space<vmem>>, %arg4: memref<1280x1xf32, #tpu.memory_space<vmem>>, %arg5: memref<1x128xf32, #tpu.memory_space<vmem>>, %arg6: memref<1280x128xf32, #tpu.memory_space<vmem>>) attributes {dimension_semantics = [#tpu.dimension_semantics<arbitrary>], iteration_bounds = array<i64: 8>, scalar_prefetch = 0 : i64, scratch_operands = 0 : i64, tpu.core_type = #tpu.core_type<tc>, window_params = [{transform_indices = @transform_0, window_bounds = array<i64: 1280, 128>}, {transform_indices = @transform_1, window_bounds = array<i64: 1280, 128>}, {transform_indices = @transform_2, window_bounds = array<i64: 1280, 128>}, {transform_indices = @transform_3, window_bounds = array<i64: 1280, 1>}, {pipeline_mode = #tpu.pipeline_mode<synchronous>, transform_indices = @transform_4, window_bounds = array<i64: 1, 128>}, {transform_indices = @transform_5, window_bounds = array<i64: 1280, 128>}]} {
    %get3A = arith.constant 0 : index
    %get3A_0 = arith.constant 0 : index
    %get3A_1 = vector.load %arg1[%get3A, %get3A_0] : memref<1280x128xf32, #tpu.memory_space<vmem>>, vector<1280x128xf32>
    %get3A_2 = arith.constant 0 : index
    %get3A_3 = arith.constant 0 : index
    %get3A_4 = vector.load %arg2[%get3A_2, %get3A_3] : memref<1280x128xf32, #tpu.memory_space<vmem>>, vector<1280x128xf32>
    %add3A = arith.addf %get3A_1, %get3A_4 : vector<1280x128xf32>
    %get3A_5 = arith.constant 0 : index
    %get3A_6 = arith.constant 0 : index
    %get3A_7 = vector.load %arg3[%get3A_5, %get3A_6] : memref<1280x128xf32, #tpu.memory_space<vmem>>, vector<1280x128xf32>
    %add3A_8 = arith.addf %add3A, %get3A_7 : vector<1280x128xf32>
    %get3A_9 = arith.constant 0 : index
    %get3A_10 = arith.constant 0 : index
    %get3A_11 = vector.load %arg4[%get3A_9, %get3A_10] : memref<1280x1xf32, #tpu.memory_space<vmem>>, vector<1280x1xf32>
    %mul3A = vector.broadcast %get3A_11 : vector<1280x1xf32> to vector<1280x128xf32>
    %mul3A_12 = arith.mulf %add3A_8, %mul3A : vector<1280x128xf32>
    %get3A_13 = arith.constant 0 : index
    %get3A_14 = arith.constant 0 : index
    %get3A_15 = vector.load %arg5[%get3A_13, %get3A_14] : memref<1x128xf32, #tpu.memory_space<vmem>>, vector<1x128xf32>
    %add3A_16 = vector.broadcast %get3A_15 : vector<1x128xf32> to vector<1280x128xf32>
    %add3A_17 = arith.addf %mul3A_12, %add3A_16 : vector<1280x128xf32>
    %reduce_max3A = arith.constant dense<0xFF800000> : vector<1280xf32>
    %reduce_max3A_18 = vector.multi_reduction <maximumf>, %add3A_17, %reduce_max3A [1] : vector<1280x128xf32> to vector<1280xf32>
    %broadcast_in_dim3A = vector.shape_cast %reduce_max3A_18 : vector<1280xf32> to vector<1280x1xf32>
    %sub3A = vector.broadcast %broadcast_in_dim3A : vector<1280x1xf32> to vector<1280x128xf32>
    %sub3A_19 = arith.subf %add3A_17, %sub3A : vector<1280x128xf32>
    %exp3A = math.exp %sub3A_19 : vector<1280x128xf32>
    %reduce_sum3A = arith.constant dense<0.000000e+00> : vector<1280xf32>
    %reduce_sum3A_20 = vector.multi_reduction <add>, %exp3A, %reduce_sum3A [1] : vector<1280x128xf32> to vector<1280xf32>
    %broadcast_in_dim3A_21 = vector.shape_cast %reduce_sum3A_20 : vector<1280xf32> to vector<1280x1xf32>
    %log3A = math.log %broadcast_in_dim3A_21 : vector<1280x1xf32>
    %add3A_22 = arith.addf %log3A, %broadcast_in_dim3A : vector<1280x1xf32>
    %sub3A_23 = vector.broadcast %add3A_22 : vector<1280x1xf32> to vector<1280x128xf32>
    %sub3A_24 = arith.subf %add3A_17, %sub3A_23 : vector<1280x128xf32>
    %swap3A = arith.constant 0 : index
    %swap3A_25 = arith.constant 0 : index
    %swap3A_26 = vector.load %arg6[%swap3A, %swap3A_25] : memref<1280x128xf32, #tpu.memory_space<vmem>>, vector<1280x128xf32>
    tpu.vector_store %arg6[%swap3A, %swap3A_25], %sub3A_24 {strides = array<i32>} : memref<1280x128xf32, #tpu.memory_space<vmem>>, vector<1280x128xf32>,
    return
  }
  func.func @transform_0(%arg0: i32) -> (i32, i32) {
    %c0_i32 = arith.constant 0 : i32
    %c0_i32_0 = arith.constant 0 : i32
    return %arg0, %c0_i32 : i32, i32
  }
  func.func @transform_1(%arg0: i32) -> (i32, i32) {
    %c0_i32 = arith.constant 0 : i32
    %c0_i32_0 = arith.constant 0 : i32
    return %arg0, %c0_i32 : i32, i32
  }
  func.func @transform_2(%arg0: i32) -> (i32, i32) {
    %c0_i32 = arith.constant 0 : i32
    %c0_i32_0 = arith.constant 0 : i32
    return %arg0, %c0_i32 : i32, i32
  }
  func.func @transform_3(%arg0: i32) -> (i32, i32) {
    %c0_i32 = arith.constant 0 : i32
    %c0_i32_0 = arith.constant 0 : i32
    return %arg0, %c0_i32 : i32, i32
  }
  func.func @transform_4(%arg0: i32) -> (i32, i32) {
    %c0_i32 = arith.constant 0 : i32
    %c0_i32_0 = arith.constant 0 : i32
    %c0_i32_1 = arith.constant 0 : i32
    return %c0_i32, %c0_i32_0 : i32, i32
  }
  func.func @transform_5(%arg0: i32) -> (i32, i32) {
    %c0_i32 = arith.constant 0 : i32
    %c0_i32_0 = arith.constant 0 : i32
    return %arg0, %c0_i32 : i32, i32
  }
}

</mosaic_0001>

<sc_bundles>
// kernel: kernel.10.cloned.1.call-start
scs
__scs_entry_jumppad:
0x0: {  	(pc) =	sbr.rel $0x88, $3  }
0x1: {  	(tag) =	ssettag $0x0;
	lr =	simm.s32 $0x1  }
0x2: {  	[smem:$0x3F8D] =	sst lr;
	_ =	strace $0xD0000000  }
0x3: {  	_ = 	snop  }
0x4: {  	_ = 	snop  }
0x5: {  	_ = 	snop  }
0x6: {  	_ = 	snop  }
0x7: {  	_ = 	snop  }
__scs_overlays_trampoline_lowered:
0x8: {  	[smem:$0x3F9C] =	sst s0  }
0x9: {  	[smem:$0x3F9D] =	sst s1  }
0xa: {  	[smem:$0x3F9E] =	sst s2  }
0xb: {  	[smem:$0x3F9F] =	sst s3  }
0xc: {  	[smem:$0x3FA0] =	sst s4  }
0xd: {  	[smem:$0x3FA1] =	sst s5  }
0xe: {  	[smem:$0x3FA2] =	sst s6  }
0xf: {  	[smem:$0x3FA3] =	sst s7  }
0x10: {  	[smem:$0x3FA4] =	sst s8  }
0x11: {  	[smem:$0x3FA5] =	sst s9;
	s0 =	simm.s32 @!p0 $0x0  }
0x12: {  	s1 =	sld [smem:$0x3F8B];
	s0 =	simm.s32 @p0 $0x1  }
0x13: {  	[smem:$0x3FA6] =	sst s0;
	s0 =	simm.s32 @!p1 $0x0  }
0x14: {  	s2 =	sld [smem:$0x3F8A];
	s0 =	simm.s32 @p1 $0x1  }
0x15: {  	[smem:$0x3FA7] =	sst s0;
	s0 =	simm.s32 @!p2 $0x0  }
0x16: {  	s3 =	sld [smem:$0x3FDB];
	s0 =	simm.s32 @p2 $0x1  }
0x17: {  	s4 =	simm.s32 $0x1BF5;
	[smem:$0x3FA9] =	sst s0  }
0x18: {  	s0 =	sld [smem:$0x3F8C];
	_ =	swait.ge [sflag:s4], $0x0  }
0x19: {  	s7 =	sld [smem:$0x3F8D]  }
0x1a: {  	s8 =	sadd.s32 $0xFFFFE003, lr  }
0x1b: {  	s9 =	sadd.s32 $0xFFFFFEF7, lr;
	s5 =	simm.s32 $0xFFFFFFFF;
	p2 =	slt.u32 s8, $0xFFFFF086  }
0x1c: {  	p1 =	slt.u32 s9, $0xF7A;
	s5 =	simm.s32 @!p2 $0x0  }
0x1d: {  	s5 =	simm.s32 @p1 $0x1;
	p0 =	seq.s32 s7, s2  }
0x1e: {  	s7 =	smul.u32 @!p0 $0xF7A, s2;
	p2 =	seq.s32 @!p0 s5, $0x0  }
0x1f: {  	s9 =	smul.u32 $0xF7A, s1;
	s8 =	simm.s32 @!p0 $0x1BF5;
	p2 =	por !p2, p0  }
0x20: {  	[sflag:s8] =	ssyncset.s32 @!p0 $0xFFFFF086;
	s6 =	sadd.s32 @!p0 s3, s7;
	s7 =	simm.s32 @!p0 $0x108  }
0x21: {  	s3 =	sadd.s32 s3, s9;
	s6 =	sadd.s32 @!p0 $0x88, s6;
	s7 =	simm.s32 @p2 $0x1082  }
0x22: {  	[simem:s7], [sflag:s8] =	dma.local @!p0 [hbm:s6], $0xF7A  }
0x23: {  	s9 =	sor.u32 $0xD0000000, s2;
	s6 =	simm.s32 $0x108;
	_ =	swait.ge @!p0 [sflag:s8], $0x0  }
0x24: {  	s3 =	sadd.s32 $0x88, s3;
	s6 =	simm.s32 @!p1 $0x1082;
	[sflag:s4] =	ssyncset.s32 $0xFFFFF086  }
0x25: {  	[simem:s6], [sflag:s4] =	dma.local [hbm:s3], $0xF7A  }
0x26: {  	[smem:$0x3F8D] =	sst s1;
	(tag) =	ssettag s2;
	_ =	strace s9  }
0x27: {  	s1 =	sld [smem:$0x3F9D]  }
0x28: {  	s2 =	sld [smem:$0x3F9E]  }
0x29: {  	s4 =	sld [smem:$0x3FA0]  }
0x2a: {  	p0 =	seq.s32 s5, $0x0;
	s5 =	sld [smem:$0x3FA1]  }
0x2b: {  	s6 =	sld [smem:$0x3FA2]  }
0x2c: {  	s7 =	sld [smem:$0x3FA3]  }
0x2d: {  	s3 =	simm.s32 $0x108;
	s8 =	sld [smem:$0x3FA4]  }
0x2e: {  	s3 =	simm.s32 @!p0 $0x1082;
	s9 =	sld [smem:$0x3FA5]  }
0x2f: {  	lr =	sadd.s32 s0, s3;
	s0 =	sld [smem:$0x3F9C]  }
0x30: {  	s3 =	sld [smem:$0x3F9F]  }
0x31: {  	[smem:$0x3FA8] =	sst s10  }
0x32: {  	s10 =	sld [smem:$0x3FA6];
	_ =	sdelay $0x3  }
0x33: {  	p0 =	seq.s32 s10, $0x1;
	s10 =	sld [smem:$0x3FA8];
	_ =	sdelay $0x3  }
0x34: {  	[smem:$0x3FA8] =	sst s10  }
0x35: {  	s10 =	sld [smem:$0x3FA7];
	_ =	sdelay $0x3  }
0x36: {  	p1 =	seq.s32 s10, $0x1;
	s10 =	sld [smem:$0x3FA8];
	_ =	sdelay $0x3  }
0x37: {  	[smem:$0x3FA8] =	sst s10  }
0x38: {  	s10 =	sld [smem:$0x3FA9]  }
0x39: {  	_ = 	snop;
	(pc) =	sbr.ind lr, $3  }
0x3a: {  	_ = 	snop  }
0x3b: {  	_ = 	snop  }
0x3c: {  	p2 =	seq.s32 s10, $0x1;
	s10 =	sld [smem:$0x3FA8]  }
0x3d: {  	_ =	shalt  }
0x3e: {  	_ =	shalt  }
0x3f: {  	_ =	shalt  }
0x40: {  	_ =	shalt  }
0x41: {  	_ =	shalt  }
0x42: {  	_ =	shalt  }
0x43: {  	_ =	shalt  }
0x44: {  	_ =	shalt  }
0x45: {  	_ =	shalt  }
0x46: {  	_ =	shalt  }
0x47: {  	_ =	shalt  }
0x48: {  	_ =	shalt  }
0x49: {  	_ =	shalt  }
0x4a: {  	_ =	shalt  }
0x4b: {  	_ =	shalt  }
0x4c: {  	_ =	shalt  }
0x4d: {  	_ =	shalt  }
0x4e: {  	_ =	shalt  }
0x4f: {  	_ =	shalt  }
0x50: {  	_ =	shalt  }
0x51: {  	_ =	shalt  }
0x52: {  	_ =	shalt  }
0x53: {  	_ =	shalt  }
0x54: {  	_ =	shalt  }
0x55: {  	_ =	shalt  }
0x56: {  	_ =	shalt  }
0x57: {  	_ =	shalt  }
0x58: {  	_ =	shalt  }
0x59: {  	_ =	shalt  }
0x5a: {  	_ =	shalt  }
0x5b: {  	_ =	shalt  }
0x5c: {  	_ =	shalt  }
0x5d: {  	_ =	shalt  }
0x5e: {  	_ =	shalt  }
0x5f: {  	_ =	shalt  }
0x60: {  	_ =	shalt  }
0x61: {  	_ =	shalt  }
0x62: {  	_ =	shalt  }
0x63: {  	_ =	shalt  }
0x64: {  	_ =	shalt  }
0x65: {  	_ =	shalt  }
0x66: {  	_ =	shalt  }
0x67: {  	_ =	shalt  }
0x68: {  	_ =	shalt  }
0x69: {  	_ =	shalt  }
0x6a: {  	_ =	shalt  }
0x6b: {  	_ =	shalt  }
0x6c: {  	_ =	shalt  }
0x6d: {  	_ =	shalt  }
0x6e: {  	_ =	shalt  }
0x6f: {  	_ =	shalt  }
0x70: {  	_ =	shalt  }
0x71: {  	_ =	shalt  }
0x72: {  	_ =	shalt  }
0x73: {  	_ =	shalt  }
0x74: {  	_ =	shalt  }
0x75: {  	_ =	shalt  }
0x76: {  	_ =	shalt  }
0x77: {  	_ =	shalt  }
0x78: {  	_ =	shalt  }
0x79: {  	_ =	shalt  }
0x7a: {  	_ =	shalt  }
0x7b: {  	_ =	shalt  }
0x7c: {  	_ =	shalt  }
0x7d: {  	_ =	shalt  }
0x7e: {  	_ =	shalt  }
0x7f: {  	_ =	shalt  }
0x80: {  	_ =	shalt  }
0x81: {  	_ =	shalt  }
0x82: {  	_ =	shalt  }
0x83: {  	_ =	shalt  }
0x84: {  	_ =	shalt  }
0x85: {  	_ =	shalt  }
0x86: {  	_ =	shalt  }
0x87: {  	_ =	shalt  }
.Lfunc_end0:
.L_simem_size_0:
called_computation_lowered:
.L_overlay_start_0:
0x88: {  	s2 =	sld [smem:$0x3FD9]  }
0x89: {  	s3 =	sld [smem:$0x3FFE];
	_ =	sdelay $0x1  }
0x8a: {  	s1 =	srdreg.scid  }
0x8b: {  	s0 =	sand.u32 $0x1, s1  }
0x8c: {  	s17 =	sshll.u32 s0, $0xA;
	s2 =	sadd.s32 s3, s2  }
0x8d: {  	s2 =	sadd.s32 s2, s17  }
0x8e: {  	[smem:$0x3FB4] =	sst s2  }
0x8f: {  	_ = 	snop  }
0x90: {  	s2 =	sld [smem:$0x3FD0];
	(tm) =	ssettm $0x1  }
0x91: {  	s18 =	sld [smem:$0x3FFB];
	_ =	sdelay $0x3  }
0x92: {  	_ =	strace s18  }
0x93: {  	s3 =	sld [smem:$0x3FFC];
	_ =	sdelay $0x3  }
0x94: {  	_ =	strace s3  }
0x95: {  	s3 =	sld [smem:$0x3FFD];
	_ =	sdelay $0x3  }
0x96: {  	_ =	strace s3  }
0x97: {  	_ =	strace $0x8FFFFFFF  }
0x98: {  	s19 =	sld [smem:$0x3FDB];
	_ =	sdelay $0x1  }
0x99: {  	s4 =	simm.s32 $_scs_section_size  }
0x9a: {  	s5 =	simm.s32 $_size__tile_overlayer_lowered;
	s6 =	simm.s32 $_tile_overlayer_lowered  }
0x9b: {  	s22 =	simm.s32 $0x1BFF;
	s21 =	sshll.u32 s6, $0x1;
	s3 =	sadd.s32 s4, s19  }
0x9c: {  	s7 =	simm.s32 $0x0;
	s20 =	sshll.u32 s5, $0x1;
	s5 =	sadd.s32 s21, s3  }
0x9d: {  	[timem:s7], [sflag:s22] =	dma.local [hbm:s5], s20  }
0x9e: {  	_ =	swait.ge [sflag:s22], s20  }
0x9f: {  	s4 =	ssub.s32 $0x0, s20;
	[sflag:s22] =	ssyncset.done $0x0  }
0xa0: {  	[sflag:s22] =	ssyncadd.s32 s4;
	_ =	sdelay $0x1  }
0xa1: {  	s23 =	simm.s32 $0x1B8B  }
0xa2: {  	_ =	swait.ge [sflag:s23], $0x1  }
0xa3: {  	[sflag:s23] =	ssyncset.done $0x0  }
0xa4: {  	s25 =	simm.s32 $0x1B8E;
	s24 =	sld [smem:$0x3FFE];
	[sflag:s23] =	ssyncadd.s32 $0xFFFFFFFF  }
0xa5: {  	s26 =	simm.s32 $execute0_lowered;
	[smem:$0x3FD2] =	sst s25  }
0xa6: {  	s5 =	sshll.u32 s26, $0x1;
	_ =	strace $0x80000046;
	[dreg:$0x1] =	wrdreg $0xFFFFFFFF  }
0xa7: {  	s28 =	simm.s32 $_size_execute0_lowered;
	s3 =	sadd.s32 s3, s5;
	[dreg:$0x0] =	wrdreg $0x0  }
0xa8: {  	s5 =	sshll.u32 s28, $0x1;
	[dreg:$0x2] =	wrdreg s3  }
0xa9: {  	[dreg:$0x3] =	wrdreg s5  }
0xaa: {  	[dreg:$0x4] =	wrdreg $0xC0  }
0xab: {  	_ =	task [dreg:s7], $0x5FFFF  }
0xac: {  	[dreg:$0x1] =	wrdreg $0xFFFFFFFF  }
0xad: {  	[dreg:$0x0] =	wrdreg $0x60  }
0xae: {  	[dreg:$0x2] =	wrdreg s2  }
0xaf: {  	[dreg:$0x3] =	wrdreg s24  }
0xb0: {  	[dreg:$0x4] =	wrdreg $0x3800  }
0xb1: {  	[dreg:$0x5] =	wrdreg $0x9  }
0xb2: {  	_ =	task.clear_ibuf [dreg:s7], $0x6FFFF;
	_ =	strace $0x90000046  }
0xb3: {  	s29 =	simm.s32 $0x9;
	_ =	strace $0x80000048  }
0xb4: {  	_ =	swait.ge [sflag:s29], $0x1  }
0xb5: {  	[sflag:s29] =	ssyncadd.s32 $0xFFFFFFFF  }
0xb6: {  	_ =	strace $0x90000048  }
0xb7: {  	_ =	sfence  }
0xb8: {  	s30 =	sld [smem:$0x0];
	_ =	sdelay $0x2  }
0xb9: {  	s31 =	sshll.u32 s1, $0xD;
	s1 =	sshrl.u32 s1, $0x2  }
0xba: {  	s3 =	sand.u32 $0x4000, s31;
	s1 =	sadd.s32 s1, s30  }
0xbb: {  	s0 =	sor.u32 s3, s0;
	s1 =	sshll.u32 s1, $0x11  }
0xbc: {  	s0 =	sor.u32 s1, s0  }
0xbd: {  	s0 =	sadd.s32 $0x8F2B, s0  }
0xbe: {  	[sflag:s0] =	ssyncadd.remote.s32 $0x1  }
0xbf: {  	_ =	sfence.sel $0xFFFF  }
0xc0: {  	[dreg:$0x0] =	wrdreg $0xFFFFFFFF;
	(pc) =	sbr.abs _section_cstart, $3  }
0xc1: {  	[dreg:$0x1] =	wrdreg $0xFFFFFFFF  }
0xc2: {  	_ =	task.clear_ibuf [dreg:s7], $0x2FFFF;
	_ =	strace $0x9FFFFFFF  }
0xc3: {  	(tm) =	ssettm $0x7FFFFFFF  }
tec
execute0_lowered:
.L_overlay_start_1:
0x0: {  	(tag) =	ssettag $0x1  }
0x1: {  	s5 =	rddreg [dreg:$0x0]  }
0x2: {  	s4 =	rddreg [dreg:$0x1];
	s1 =	srdreg.scid  }
0x3: {  	s0 =	stileid.u32;
	s2 =	rddreg [dreg:$0x2];
	s3 =	simm.s32 $0x0  }
0x4: {  	s13 =	simm.s32 $0x20;
	s14 =	simm.s32 $0x10;
	s7 =	smul.u32 $0x500, s0  }
0x5: {  	s6 =	sand.u32 $0x1, s1;
	s1 =	rddreg [dreg:$0x3];
	s29 =	smul.u32 $0xA00, s0  }
0x6: {  	s15 =	simm.s32 $0x0;
	[smem:$0x7FF] =	sst s3;
	s10 =	smul.u32 $0x4F0, s0  }
0x7: {  	s11 =	sshll.u32 s0, $0x6;
	s8 =	sshll.u32 s6, $0x7;
	_ =	strace $0x80000047  }
0x8: {  	s30 =	ssub.s32 $0x2, s6;
	s6 =	smul.u32 $0x4F00, s6;
	s11 =	sor.u32 $0x1C01, s11  }
0x9: {  	s7 =	sor.u32 s8, s7;
	s9 =	sshrl.u32 s30, $0x1;
	s8 =	sshrl.u32 s29, $0x2  }
0xa: {  	s7 =	sshrl.u32 s7, $0x3;
	s9 =	ssub.s32 s30, s9;
	s31 =	sadd.s32 s6, s5  }
0xb: {  	s7 =	sadd.s32 s7, s4;
	s4 =	sadd.s32 s8, s2;
	s6 =	smax.u32 s9, $0x1  }
0xc: {  	s8 =	simm.s32 $0x100;
	s9 =	simm.s32 $0x1;
	s5 =	sadd.s32 $0xFA00, s7  }
0xd: {  	v0 =	vimm.f32 $1.000000000e+00;
	v1 =	vimm.f32 $0.0e+00;
	s7 =	sadd.s32 s10, s31;
	s10 =	simm.s32 $0x80;
	s12 =	sshrl.u32 s4, $0x3  }
.LBB2_1:
0xe: {  	[tilespmem:$0x80] =	vst v0  }
0xf: {  	[tilespmem:$0x90] =	vst v0  }
0x10: {  	[tilespmem:$0xA0] =	vst v0  }
0x11: {  	[tilespmem:$0xB0] =	vst v0  }
0x12: {  	[tilespmem:$0xC0] =	vst v0  }
0x13: {  	[tilespmem:$0xD0] =	vst v0  }
0x14: {  	[tilespmem:$0xE0] =	vst v0  }
0x15: {  	[tilespmem:$0xF0] =	vst v0  }
0x16: {  	[tilespmem:$0x100] =	vst v1  }
0x17: {  	[tilespmem:$0x110] =	vst v1  }
0x18: {  	[tilespmem:$0x120] =	vst v1  }
0x19: {  	[tilespmem:$0x130] =	vst v1  }
0x1a: {  	[tilespmem:$0x140] =	vst v1  }
0x1b: {  	[tilespmem:$0x150] =	vst v1  }
0x1c: {  	[tilespmem:$0x160] =	vst v1  }
0x1d: {  	[tilespmem:$0x170] =	vst v1  }
0x1e: {  	[tilespmem:$0x180] =	vst v1  }
0x1f: {  	[tilespmem:$0x190] =	vst v1  }
0x20: {  	[tilespmem:$0x1A0] =	vst v1  }
0x21: {  	[tilespmem:$0x1B0] =	vst v1  }
0x22: {  	[tilespmem:$0x1C0] =	vst v1  }
0x23: {  	[tilespmem:$0x1D0] =	vst v1  }
0x24: {  	[tilespmem:$0x1E0] =	vst v1  }
0x25: {  	[tilespmem:$0x1F0] =	vst v1  }
0x26: {  	[tilespmem:$0x200] =	vst v1  }
0x27: {  	[tilespmem:$0x210] =	vst v1  }
0x28: {  	[tilespmem:$0x220] =	vst v1  }
0x29: {  	[tilespmem:$0x230] =	vst v1  }
0x2a: {  	[tilespmem:$0x240] =	vst v1  }
0x2b: {  	[tilespmem:$0x250] =	vst v1  }
0x2c: {  	[tilespmem:$0x260] =	vst v1  }
0x2d: {  	[tilespmem:$0x270] =	vst v1  }
0x2e: {  	[tilespmem:$0x280] =	vst v1  }
0x2f: {  	[tilespmem:$0x290] =	vst v1  }
0x30: {  	[tilespmem:$0x2A0] =	vst v1  }
0x31: {  	[tilespmem:$0x2B0] =	vst v1  }
0x32: {  	[tilespmem:$0x2C0] =	vst v1  }
0x33: {  	[tilespmem:$0x2D0] =	vst v1  }
0x34: {  	[tilespmem:$0x2E0] =	vst v1  }
0x35: {  	[tilespmem:$0x2F0] =	vst v1  }
0x36: {  	[tilespmem:$0x300] =	vst v1  }
0x37: {  	[tilespmem:$0x310] =	vst v1  }
0x38: {  	[tilespmem:$0x320] =	vst v1  }
0x39: {  	[tilespmem:$0x330] =	vst v1  }
0x3a: {  	[tilespmem:$0x340] =	vst v1  }
0x3b: {  	[tilespmem:$0x350] =	vst v1  }
0x3c: {  	[tilespmem:$0x360] =	vst v1  }
0x3d: {  	[tilespmem:$0x370] =	vst v1  }
0x3e: {  	[spmem:s4] =	stream.linear.scatter [tilespmem:s8], [sflag:$0x1], $0x280, $0x38;
	[tilespmem:$0x600] =	vst v63  }
0x3f: {  	_ =	swait.ge [sflag:s9], $0x280  }
0x40: {  	[sflag:s9] =	ssyncset.done $0x0  }
0x41: {  	[sflag:s9] =	ssyncadd.s32 $0xFFFFFD80  }
0x42: {  	s16 =	sadd.s32 $0x0, s7;
	[bflag:$0x0] =	sbarrier.arrive $0xFFFF  }
0x43: {  	[tilespmem:s3], [sflag:$0x1] =	stream.linear.gather [hbm4b:s16+s3], $0x80, $0x38;
	[tilespmem:$0x600] =	vst v63  }
0x44: {  	_ =	swait.ge [sflag:s9], $0x80  }
0x45: {  	[sflag:s9] =	ssyncset.done $0x0  }
0x46: {  	[sflag:s9] =	ssyncadd.s32 $0xFFFFFF80  }
0x47: {  	[spmem:s2] =	stream.indirect.scatter.add.f32 [tilespmem:s10], [sflag:$0x1], $0x1, s3, s10, $0xb8;
	[tilespmem:$0x600] =	vst v63  }
0x48: {  	_ =	swait.ge [sflag:s9], $0x80  }
0x49: {  	s17 =	simm.s32 $0x20;
	s16 =	simm.s32 $0x10;
	[sflag:s9] =	ssyncset.done $0x0  }
.LBB2_2:
0x4a: {  	s18 =	sadd.s32 s16, s7  }
0x4b: {  	[sflag:s9] =	ssyncadd.s32 $0xFFFFFF80;
	s16 =	smov.u32 s17;
	s19 =	sadd.s32 $0x10, s17  }
0x4c: {  	[tilespmem:s3], [sflag:$0x1] =	stream.linear.gather [hbm4b:s18+s3], $0x80, $0x38;
	[tilespmem:$0x600] =	vst v63  }
0x4d: {  	p0 =	sne.s32 s17, $0x4E0;
	_ =	swait.ge [sflag:s9], $0x80  }
.Ltmp0:
0x4e: {  	[sflag:s9] =	ssyncset.done $0x0;
	(pc) =	sbr.rel @p0 .LBB2_2-.Ltmp0, $4  }
0x4f: {  	[sflag:s9] =	ssyncadd.s32 $0xFFFFFF80  }
0x50: {  	[spmem:s2] =	stream.indirect.scatter.add.f32 [tilespmem:s10], [sflag:$0x1], $0x1, s3, s10, $0xb8;
	[tilespmem:$0x600] =	vst v63  }
0x51: {  	_ =	swait.ge [sflag:s9], $0x80  }
0x52: {  	s17 =	smov.u32 s19;
	[sflag:s9] =	ssyncset.done $0x0  }
0x53: {  	s16 =	sadd.s32 s16, s7;
	[sflag:s9] =	ssyncadd.s32 $0xFFFFFF80  }
0x54: {  	[tilespmem:s3], [sflag:$0x1] =	stream.linear.gather [hbm4b:s16+s3], $0x80, $0x38;
	[tilespmem:$0x600] =	vst v63  }
0x55: {  	_ =	swait.ge [sflag:s9], $0x80  }
0x56: {  	[sflag:s9] =	ssyncset.done $0x0  }
0x57: {  	[sflag:s9] =	ssyncadd.s32 $0xFFFFFF80  }
0x58: {  	[spmem:s2] =	stream.indirect.scatter.add.f32 [tilespmem:s10], [sflag:$0x1], $0x1, s3, s10, $0xb8;
	[tilespmem:$0x600] =	vst v63  }
0x59: {  	_ =	swait.ge [sflag:s9], $0x80  }
0x5a: {  	s15 =	sadd.s32 $0x1, s15;
	[sflag:s9] =	ssyncset.done $0x0  }
0x5b: {  	p0 =	sne.s32 s15, s6;
	[sflag:s9] =	ssyncadd.s32 $0xFFFFFF80  }
.Ltmp1:
0x5c: {  	[bflag:$0x0] =	sbarrier.arrive $0xFFFF;
	(pc) =	sbr.rel @p0 .LBB2_1-.Ltmp1, $4  }
0x5d: {  	[hbm:s5@s13], [sflag:s11] =	dma.strided [spmem:s12@s14], $0x50, s9, $0x10   }
0x5e: {  	_ =	swait.ge [sflag:s9], $0x50  }
0x5f: {  	[sflag:s9] =	ssyncset.done $0x0  }
0x60: {  	[sflag:s9] =	ssyncadd.s32 $0xFFFFFFB0  }
0x61: {  	_ =	sfence.sel $0x180000  }
0x62: {  	[bflag:$0x0] =	sbarrier.arrive $0xFFFF  }
0x63: {  	p0 =	sne.s32 s0, $0x0;
	_ =	strace $0x90000047  }
0x64: {  	s0 =	sadd.s32 @!p0 $0x100000, s1;
	[bflag:$0x2] =	sbarrier.arrive $0xFFFF  }
0x65: {  	[sflag:s0] =	ssyncadd.tile.s32 @!p0 $0x1;
	_ =	shalt  }
.Lfunc_end2:
_tile_overlayer_lowered:
.L_overlay_start_2:
0x66: {  	(tag) =	ssettag $0x2  }
0x67: {  	s0 =	rddreg [dreg:$0x0];
	s2 =	stileid.u32  }
0x68: {  	s1 =	rddreg [dreg:$0x1];
	p0 =	sne.s32 s2, $0x0  }
0x69: {  	s3 =	rddreg [dreg:$0x2];
	[bflag:$0x3] =	sbarrier.arrive $0xFFFF;
	s2 =	simm.s32 @!p0 $0x1C01  }
0x6a: {  	[timem:s3], [sflag:s2] =	dma.local @!p0 [hbm:s0], s1  }
0x6b: {  	s0 =	simm.s32 @!p0 $0x1  }
0x6c: {  	_ =	swait.ge @!p0 [sflag:s0], s1  }
0x6d: {  	s1 =	ssub.s32 @!p0 $0x0, s1;
	[sflag:s0] =	ssyncset.done @!p0 $0x0  }
0x6e: {  	[sflag:s0] =	ssyncadd.s32 @!p0 s1  }
0x6f: {  	[bflag:$0x3] =	sbarrier.arrive $0xFFFF  }
0x70: {  	_ =	shalt  }

// kernel: kernel.13.cloned.1.call-start
scs
__scs_entry_jumppad:
0x0: {  	(pc) =	sbr.rel $0x88, $3  }
0x1: {  	(tag) =	ssettag $0x0;
	lr =	simm.s32 $0x1  }
0x2: {  	[smem:$0x3F8D] =	sst lr;
	_ =	strace $0xD0000000  }
0x3: {  	_ = 	snop  }
0x4: {  	_ = 	snop  }
0x5: {  	_ = 	snop  }
0x6: {  	_ = 	snop  }
0x7: {  	_ = 	snop  }
__scs_overlays_trampoline_lowered:
0x8: {  	[smem:$0x3F9C] =	sst s0  }
0x9: {  	[smem:$0x3F9D] =	sst s1  }
0xa: {  	[smem:$0x3F9E] =	sst s2  }
0xb: {  	[smem:$0x3F9F] =	sst s3  }
0xc: {  	[smem:$0x3FA0] =	sst s4  }
0xd: {  	[smem:$0x3FA1] =	sst s5  }
0xe: {  	[smem:$0x3FA2] =	sst s6  }
0xf: {  	[smem:$0x3FA3] =	sst s7  }
0x10: {  	[smem:$0x3FA4] =	sst s8  }
0x11: {  	[smem:$0x3FA5] =	sst s9;
	s0 =	simm.s32 @!p0 $0x0  }
0x12: {  	s1 =	sld [smem:$0x3F8B];
	s0 =	simm.s32 @p0 $0x1  }
0x13: {  	[smem:$0x3FA6] =	sst s0;
	s0 =	simm.s32 @!p1 $0x0  }
0x14: {  	s2 =	sld [smem:$0x3F8A];
	s0 =	simm.s32 @p1 $0x1  }
0x15: {  	[smem:$0x3FA7] =	sst s0;
	s0 =	simm.s32 @!p2 $0x0  }
0x16: {  	s3 =	sld [smem:$0x3FDB];
	s0 =	simm.s32 @p2 $0x1  }
0x17: {  	s4 =	simm.s32 $0x1BF5;
	[smem:$0x3FA9] =	sst s0  }
0x18: {  	s0 =	sld [smem:$0x3F8C];
	_ =	swait.ge [sflag:s4], $0x0  }
0x19: {  	s7 =	sld [smem:$0x3F8D]  }
0x1a: {  	s8 =	sadd.s32 $0xFFFFE003, lr  }
0x1b: {  	s9 =	sadd.s32 $0xFFFFFEF7, lr;
	s5 =	simm.s32 $0xFFFFFFFF;
	p2 =	slt.u32 s8, $0xFFFFF086  }
0x1c: {  	p1 =	slt.u32 s9, $0xF7A;
	s5 =	simm.s32 @!p2 $0x0  }
0x1d: {  	s5 =	simm.s32 @p1 $0x1;
	p0 =	seq.s32 s7, s2  }
0x1e: {  	s7 =	smul.u32 @!p0 $0xF7A, s2;
	p2 =	seq.s32 @!p0 s5, $0x0  }
0x1f: {  	s9 =	smul.u32 $0xF7A, s1;
	s8 =	simm.s32 @!p0 $0x1BF5;
	p2 =	por !p2, p0  }
0x20: {  	[sflag:s8] =	ssyncset.s32 @!p0 $0xFFFFF086;
	s6 =	sadd.s32 @!p0 s3, s7;
	s7 =	simm.s32 @!p0 $0x108  }
0x21: {  	s3 =	sadd.s32 s3, s9;
	s6 =	sadd.s32 @!p0 $0x88, s6;
	s7 =	simm.s32 @p2 $0x1082  }
0x22: {  	[simem:s7], [sflag:s8] =	dma.local @!p0 [hbm:s6], $0xF7A  }
0x23: {  	s9 =	sor.u32 $0xD0000000, s2;
	s6 =	simm.s32 $0x108;
	_ =	swait.ge @!p0 [sflag:s8], $0x0  }
0x24: {  	s3 =	sadd.s32 $0x88, s3;
	s6 =	simm.s32 @!p1 $0x1082;
	[sflag:s4] =	ssyncset.s32 $0xFFFFF086  }
0x25: {  	[simem:s6], [sflag:s4] =	dma.local [hbm:s3], $0xF7A  }
0x26: {  	[smem:$0x3F8D] =	sst s1;
	(tag) =	ssettag s2;
	_ =	strace s9  }
0x27: {  	s1 =	sld [smem:$0x3F9D]  }
0x28: {  	s2 =	sld [smem:$0x3F9E]  }
0x29: {  	s4 =	sld [smem:$0x3FA0]  }
0x2a: {  	p0 =	seq.s32 s5, $0x0;
	s5 =	sld [smem:$0x3FA1]  }
0x2b: {  	s6 =	sld [smem:$0x3FA2]  }
0x2c: {  	s7 =	sld [smem:$0x3FA3]  }
0x2d: {  	s3 =	simm.s32 $0x108;
	s8 =	sld [smem:$0x3FA4]  }
0x2e: {  	s3 =	simm.s32 @!p0 $0x1082;
	s9 =	sld [smem:$0x3FA5]  }
0x2f: {  	lr =	sadd.s32 s0, s3;
	s0 =	sld [smem:$0x3F9C]  }
0x30: {  	s3 =	sld [smem:$0x3F9F]  }
0x31: {  	[smem:$0x3FA8] =	sst s10  }
0x32: {  	s10 =	sld [smem:$0x3FA6];
	_ =	sdelay $0x3  }
0x33: {  	p0 =	seq.s32 s10, $0x1;
	s10 =	sld [smem:$0x3FA8];
	_ =	sdelay $0x3  }
0x34: {  	[smem:$0x3FA8] =	sst s10  }
0x35: {  	s10 =	sld [smem:$0x3FA7];
	_ =	sdelay $0x3  }
0x36: {  	p1 =	seq.s32 s10, $0x1;
	s10 =	sld [smem:$0x3FA8];
	_ =	sdelay $0x3  }
0x37: {  	[smem:$0x3FA8] =	sst s10  }
0x38: {  	s10 =	sld [smem:$0x3FA9]  }
0x39: {  	_ = 	snop;
	(pc) =	sbr.ind lr, $3  }
0x3a: {  	_ = 	snop  }
0x3b: {  	_ = 	snop  }
0x3c: {  	p2 =	seq.s32 s10, $0x1;
	s10 =	sld [smem:$0x3FA8]  }
0x3d: {  	_ =	shalt  }
0x3e: {  	_ =	shalt  }
0x3f: {  	_ =	shalt  }
0x40: {  	_ =	shalt  }
0x41: {  	_ =	shalt  }
0x42: {  	_ =	shalt  }
0x43: {  	_ =	shalt  }
0x44: {  	_ =	shalt  }
0x45: {  	_ =	shalt  }
0x46: {  	_ =	shalt  }
0x47: {  	_ =	shalt  }
0x48: {  	_ =	shalt  }
0x49: {  	_ =	shalt  }
0x4a: {  	_ =	shalt  }
0x4b: {  	_ =	shalt  }
0x4c: {  	_ =	shalt  }
0x4d: {  	_ =	shalt  }
0x4e: {  	_ =	shalt  }
0x4f: {  	_ =	shalt  }
0x50: {  	_ =	shalt  }
0x51: {  	_ =	shalt  }
0x52: {  	_ =	shalt  }
0x53: {  	_ =	shalt  }
0x54: {  	_ =	shalt  }
0x55: {  	_ =	shalt  }
0x56: {  	_ =	shalt  }
0x57: {  	_ =	shalt  }
0x58: {  	_ =	shalt  }
0x59: {  	_ =	shalt  }
0x5a: {  	_ =	shalt  }
0x5b: {  	_ =	shalt  }
0x5c: {  	_ =	shalt  }
0x5d: {  	_ =	shalt  }
0x5e: {  	_ =	shalt  }
0x5f: {  	_ =	shalt  }
0x60: {  	_ =	shalt  }
0x61: {  	_ =	shalt  }
0x62: {  	_ =	shalt  }
0x63: {  	_ =	shalt  }
0x64: {  	_ =	shalt  }
0x65: {  	_ =	shalt  }
0x66: {  	_ =	shalt  }
0x67: {  	_ =	shalt  }
0x68: {  	_ =	shalt  }
0x69: {  	_ =	shalt  }
0x6a: {  	_ =	shalt  }
0x6b: {  	_ =	shalt  }
0x6c: {  	_ =	shalt  }
0x6d: {  	_ =	shalt  }
0x6e: {  	_ =	shalt  }
0x6f: {  	_ =	shalt  }
0x70: {  	_ =	shalt  }
0x71: {  	_ =	shalt  }
0x72: {  	_ =	shalt  }
0x73: {  	_ =	shalt  }
0x74: {  	_ =	shalt  }
0x75: {  	_ =	shalt  }
0x76: {  	_ =	shalt  }
0x77: {  	_ =	shalt  }
0x78: {  	_ =	shalt  }
0x79: {  	_ =	shalt  }
0x7a: {  	_ =	shalt  }
0x7b: {  	_ =	shalt  }
0x7c: {  	_ =	shalt  }
0x7d: {  	_ =	shalt  }
0x7e: {  	_ =	shalt  }
0x7f: {  	_ =	shalt  }
0x80: {  	_ =	shalt  }
0x81: {  	_ =	shalt  }
0x82: {  	_ =	shalt  }
0x83: {  	_ =	shalt  }
0x84: {  	_ =	shalt  }
0x85: {  	_ =	shalt  }
0x86: {  	_ =	shalt  }
0x87: {  	_ =	shalt  }
.Lfunc_end0:
.L_simem_size_0:
called_computation.1_lowered:
.L_overlay_start_0:
0x88: {  	s2 =	sld [smem:$0x3FD9]  }
0x89: {  	s3 =	sld [smem:$0x3FFE];
	_ =	sdelay $0x1  }
0x8a: {  	s1 =	srdreg.scid  }
0x8b: {  	s0 =	sand.u32 $0x1, s1  }
0x8c: {  	s17 =	sshll.u32 s0, $0xA;
	s2 =	sadd.s32 s3, s2  }
0x8d: {  	s2 =	sadd.s32 s2, s17  }
0x8e: {  	[smem:$0x3FB4] =	sst s2  }
0x8f: {  	_ = 	snop  }
0x90: {  	s2 =	sld [smem:$0x3FD0];
	(tm) =	ssettm $0x1  }
0x91: {  	s18 =	sld [smem:$0x3FFB];
	_ =	sdelay $0x3  }
0x92: {  	_ =	strace s18  }
0x93: {  	s3 =	sld [smem:$0x3FFC];
	_ =	sdelay $0x3  }
0x94: {  	_ =	strace s3  }
0x95: {  	s3 =	sld [smem:$0x3FFD];
	_ =	sdelay $0x3  }
0x96: {  	_ =	strace s3  }
0x97: {  	_ =	strace $0x8FFFFFFF  }
0x98: {  	s19 =	sld [smem:$0x3FDB];
	_ =	sdelay $0x1  }
0x99: {  	s4 =	simm.s32 $_scs_section_size  }
0x9a: {  	s5 =	simm.s32 $_size__tile_overlayer_lowered;
	s6 =	simm.s32 $_tile_overlayer_lowered  }
0x9b: {  	s22 =	simm.s32 $0x1BFF;
	s21 =	sshll.u32 s6, $0x1;
	s3 =	sadd.s32 s4, s19  }
0x9c: {  	s7 =	simm.s32 $0x0;
	s20 =	sshll.u32 s5, $0x1;
	s5 =	sadd.s32 s21, s3  }
0x9d: {  	[timem:s7], [sflag:s22] =	dma.local [hbm:s5], s20  }
0x9e: {  	_ =	swait.ge [sflag:s22], s20  }
0x9f: {  	s4 =	ssub.s32 $0x0, s20;
	[sflag:s22] =	ssyncset.done $0x0  }
0xa0: {  	[sflag:s22] =	ssyncadd.s32 s4;
	_ =	sdelay $0x1  }
0xa1: {  	s23 =	simm.s32 $0x1B8B  }
0xa2: {  	_ =	swait.ge [sflag:s23], $0x1  }
0xa3: {  	[sflag:s23] =	ssyncset.done $0x0  }
0xa4: {  	s25 =	simm.s32 $0x1B8E;
	s24 =	sld [smem:$0x3FFE];
	[sflag:s23] =	ssyncadd.s32 $0xFFFFFFFF  }
0xa5: {  	s26 =	simm.s32 $execute0_lowered;
	[smem:$0x3FD2] =	sst s25  }
0xa6: {  	s5 =	sshll.u32 s26, $0x1;
	_ =	strace $0x80000049;
	[dreg:$0x1] =	wrdreg $0xFFFFFFFF  }
0xa7: {  	s28 =	simm.s32 $_size_execute0_lowered;
	s3 =	sadd.s32 s3, s5;
	[dreg:$0x0] =	wrdreg $0x0  }
0xa8: {  	s5 =	sshll.u32 s28, $0x1;
	[dreg:$0x2] =	wrdreg s3  }
0xa9: {  	[dreg:$0x3] =	wrdreg s5  }
0xaa: {  	[dreg:$0x4] =	wrdreg $0xC0  }
0xab: {  	_ =	task [dreg:s7], $0x5FFFF  }
0xac: {  	[dreg:$0x1] =	wrdreg $0xFFFFFFFF  }
0xad: {  	[dreg:$0x0] =	wrdreg $0x60  }
0xae: {  	[dreg:$0x2] =	wrdreg s24  }
0xaf: {  	[dreg:$0x3] =	wrdreg s2  }
0xb0: {  	[dreg:$0x4] =	wrdreg $0x41000  }
0xb1: {  	[dreg:$0x5] =	wrdreg $0x9  }
0xb2: {  	_ =	task.clear_ibuf [dreg:s7], $0x6FFFF;
	_ =	strace $0x90000049  }
0xb3: {  	s29 =	simm.s32 $0x9;
	_ =	strace $0x8000004B  }
0xb4: {  	_ =	swait.ge [sflag:s29], $0x1  }
0xb5: {  	[sflag:s29] =	ssyncadd.s32 $0xFFFFFFFF  }
0xb6: {  	_ =	strace $0x9000004B  }
0xb7: {  	_ =	sfence  }
0xb8: {  	s30 =	sld [smem:$0x0];
	_ =	sdelay $0x2  }
0xb9: {  	s31 =	sshll.u32 s1, $0xD;
	s1 =	sshrl.u32 s1, $0x2  }
0xba: {  	s3 =	sand.u32 $0x4000, s31;
	s1 =	sadd.s32 s1, s30  }
0xbb: {  	s0 =	sor.u32 s3, s0;
	s1 =	sshll.u32 s1, $0x11  }
0xbc: {  	s0 =	sor.u32 s1, s0  }
0xbd: {  	s0 =	sadd.s32 $0x8F2B, s0  }
0xbe: {  	[sflag:s0] =	ssyncadd.remote.s32 $0x1  }
0xbf: {  	_ =	sfence.sel $0xFFFF  }
0xc0: {  	[dreg:$0x0] =	wrdreg $0xFFFFFFFF;
	(pc) =	sbr.abs _section_cstart, $3  }
0xc1: {  	[dreg:$0x1] =	wrdreg $0xFFFFFFFF  }
0xc2: {  	_ =	task.clear_ibuf [dreg:s7], $0x2FFFF;
	_ =	strace $0x9FFFFFFF  }
0xc3: {  	(tm) =	ssettm $0x7FFFFFFF  }
tec
execute0_lowered:
.L_overlay_start_1:
0x0: {  	(tag) =	ssettag $0x1  }
0x1: {  	s6 =	rddreg [dreg:$0x0];
	s0 =	srdreg.scid  }
0x2: {  	s11 =	rddreg [dreg:$0x1];
	s1 =	stileid.u32  }
0x3: {  	s2 =	rddreg [dreg:$0x2];
	s3 =	simm.s32 $0x0;
	s8 =	smul.u32 $0x14000, s1  }
0x4: {  	s16 =	simm.s32 $0x80;
	s17 =	simm.s32 $0x1;
	s9 =	smul.u32 $0x50000, s1  }
0x5: {  	s5 =	sand.u32 $0x1, s0;
	s0 =	rddreg [dreg:$0x3];
	s15 =	smul.u32 $0x4F0, s1  }
0x6: {  	s20 =	simm.s32 $0x0;
	[smem:$0x7FF] =	sst s3;
	s12 =	smul.u32 $0x4F00, s5  }
0x7: {  	s4 =	sadd.s32 $0xFA00, s6;
	s18 =	sshll.u32 s1, $0x6;
	s7 =	smul.u32 $0x140000, s5  }
0x8: {  	_ =	strace $0x8000004A;
	s29 =	ssub.s32 $0x2, s5;
	s18 =	sor.u32 $0x1C02, s18  }
0x9: {  	s30 =	sshrl.u32 s9, $0x2;
	s31 =	sshrl.u32 s29, $0x1;
	s13 =	sadd.s32 s12, s6  }
0xa: {  	s7 =	sadd.s32 s8, s7;
	s5 =	sadd.s32 s30, s2;
	s14 =	ssub.s32 s29, s31  }
0xb: {  	s12 =	sadd.s32 s12, s11;
	s7 =	sshrl.u32 s7, $0x3;
	s8 =	sadd.s32 $0xC000, s5  }
0xc: {  	s9 =	sadd.s32 $0x10000, s5;
	s11 =	smax.u32 s14, $0x1;
	s12 =	sadd.s32 s15, s12  }
0xd: {  	s13 =	sadd.s32 s15, s13;
	s14 =	simm.s32 $0x100;
	s15 =	simm.s32 $0x2  }
0xe: {  	s19 =	sshrl.u32 s5, $0x3;
	s10 =	sadd.s32 s7, s6;
	s6 =	sadd.s32 $0x4000, s5  }
0xf: {  	v0 =	vimm.f32 $0.0e+00;
	s7 =	sadd.s32 $0x8000, s5;
	s13 =	sadd.s32 $0x5C00, s13;
	s10 =	sadd.s32 $0x5FA00, s10  }
.LBB2_1:
0x10: {  	s21 =	sand.u32 $0xFE00, s3  }
0x11: {  	s22 =	sand.u32 $0x70, s3;
	s23 =	sshrl.u32 s21, $0x2  }
0x12: {  	s21 =	simm.s32 $0x40;
	s23 =	sor.u32 s22, s23;
	s22 =	simm.s32 $0x0  }
.LBB2_2:
0x13: {  	p0 =	sne.s32 s21, $0xFFC0  }
0x14: {  	[tilespmem:s23+$0x100] =	vst v0;
	s22 =	sadd.s32 $0x10, s22;
	s23 =	smov.u32 s21;
	s21 =	sadd.s32 $0x40, s21  }
.Ltmp0:
0x15: {  	(pc) =	sbr.rel @p0 .LBB2_2-.Ltmp0, $4  }
0x16: {  	_ = 	snop  }
0x17: {  	s23 =	sand.u32 $0xFE00, s23  }
0x18: {  	s24 =	sand.u32 $0x70, s22;
	s23 =	sshrl.u32 s23, $0x2  }
0x19: {  	s23 =	sor.u32 s24, s23  }
0x1a: {  	[tilespmem:s23+$0x100] =	vst v0  }
0x1b: {  	[spmem:s5] =	stream.linear.scatter [tilespmem:s14], [sflag:$0x2], $0x4000, $0x38;
	[tilespmem:$0x18100] =	vst v63  }
0x1c: {  	_ =	swait.ge [sflag:s15], $0x4000  }
0x1d: {  	[sflag:s15] =	ssyncset.done $0x0  }
0x1e: {  	[sflag:s15] =	ssyncadd.s32 $0xFFFFC000  }
0x1f: {  	[spmem:s6] =	stream.linear.scatter [tilespmem:s14], [sflag:$0x2], $0x4000, $0x38;
	[tilespmem:$0x18100] =	vst v63  }
0x20: {  	_ =	swait.ge [sflag:s15], $0x4000  }
0x21: {  	[sflag:s15] =	ssyncset.done $0x0  }
0x22: {  	[sflag:s15] =	ssyncadd.s32 $0xFFFFC000  }
0x23: {  	[spmem:s7] =	stream.linear.scatter [tilespmem:s14], [sflag:$0x2], $0x4000, $0x38;
	[tilespmem:$0x18100] =	vst v63  }
0x24: {  	_ =	swait.ge [sflag:s15], $0x4000  }
0x25: {  	[sflag:s15] =	ssyncset.done $0x0  }
0x26: {  	[sflag:s15] =	ssyncadd.s32 $0xFFFFC000  }
0x27: {  	[spmem:s8] =	stream.linear.scatter [tilespmem:s14], [sflag:$0x2], $0x4000, $0x38;
	[tilespmem:$0x18100] =	vst v63  }
0x28: {  	_ =	swait.ge [sflag:s15], $0x4000  }
0x29: {  	[sflag:s15] =	ssyncset.done $0x0  }
0x2a: {  	[sflag:s15] =	ssyncadd.s32 $0xFFFFC000  }
0x2b: {  	[spmem:s9] =	stream.linear.scatter [tilespmem:s14], [sflag:$0x2], $0x4000, $0x38;
	[tilespmem:$0x18100] =	vst v63  }
0x2c: {  	_ =	swait.ge [sflag:s15], $0x4000  }
0x2d: {  	[sflag:s15] =	ssyncset.done $0x0  }
0x2e: {  	[sflag:s15] =	ssyncadd.s32 $0xFFFFC000  }
0x2f: {  	s21 =	sadd.s32 $0x0, s13;
	[bflag:$0x0] =	sbarrier.arrive $0xFFFF  }
0x30: {  	[tilespmem:s3], [sflag:$0x2] =	stream.linear.gather [hbm4b:s21+s3], $0x80, $0x38;
	[tilespmem:$0x18100] =	vst v63  }
0x31: {  	_ =	swait.ge [sflag:s15], $0x80  }
0x32: {  	[sflag:s15] =	ssyncset.done $0x0  }
0x33: {  	s31 =	sadd.s32 $0x0, s12;
	[sflag:s15] =	ssyncadd.s32 $0xFFFFFF80  }
0x34: {  	[tilespmem:s16], [sflag:$0x2] =	stream.linear.gather [hbm4b:s31+s3], $0x80, $0x38;
	[tilespmem:$0x18100] =	vst v63  }
0x35: {  	_ =	swait.ge [sflag:s15], $0x80  }
0x36: {  	[sflag:s15] =	ssyncset.done $0x0  }
0x37: {  	[sflag:s15] =	ssyncadd.s32 $0xFFFFFF80  }
0x38: {  	[tilespmem:s14], [sflag:$0x1] =	stream.indirect.gather [hbm4b:s4+s16], $0x80, s3, s16, $0xb8;
	[tilespmem:$0x18100] =	vst v63  }
0x39: {  	_ =	swait.ge [sflag:s17], $0x4000  }
0x3a: {  	[sflag:s17] =	ssyncset.done $0x0  }
0x3b: {  	[sflag:s17] =	ssyncadd.s32 $0xFFFFC000  }
0x3c: {  	[spmem:s2] =	stream.indirect.scatter.add.f32 [tilespmem:s14], [sflag:$0x2], $0x80, s16, s16, $0xb8;
	[tilespmem:$0x18100] =	vst v63  }
0x3d: {  	_ =	swait.ge [sflag:s15], $0x4000  }
0x3e: {  	s22 =	simm.s32 $0x20;
	s21 =	simm.s32 $0x10;
	[sflag:s15] =	ssyncset.done $0x0  }
.LBB2_4:
0x3f: {  	s23 =	sadd.s32 s21, s13  }
0x40: {  	[sflag:s15] =	ssyncadd.s32 $0xFFFFC000;
	s24 =	smov.u32 s22;
	s25 =	sadd.s32 $0x10, s22  }
0x41: {  	[tilespmem:s3], [sflag:$0x2] =	stream.linear.gather [hbm4b:s23+s3], $0x80, $0x38;
	[tilespmem:$0x18100] =	vst v63  }
0x42: {  	p0 =	sne.s32 s22, $0x4E0;
	_ =	swait.ge [sflag:s15], $0x80  }
0x43: {  	[sflag:s15] =	ssyncset.done $0x0  }
0x44: {  	s22 =	sadd.s32 s21, s12;
	s21 =	smov.u32 s24;
	[sflag:s15] =	ssyncadd.s32 $0xFFFFFF80  }
0x45: {  	[tilespmem:s16], [sflag:$0x2] =	stream.linear.gather [hbm4b:s22+s3], $0x80, $0x38;
	[tilespmem:$0x18100] =	vst v63  }
0x46: {  	_ =	swait.ge [sflag:s15], $0x80  }
0x47: {  	[sflag:s15] =	ssyncset.done $0x0  }
0x48: {  	[sflag:s15] =	ssyncadd.s32 $0xFFFFFF80  }
0x49: {  	[tilespmem:s14], [sflag:$0x1] =	stream.indirect.gather [hbm4b:s4+s16], $0x80, s3, s16, $0xb8;
	[tilespmem:$0x18100] =	vst v63  }
0x4a: {  	_ =	swait.ge [sflag:s17], $0x4000  }
.Ltmp1:
0x4b: {  	[sflag:s17] =	ssyncset.done $0x0;
	(pc) =	sbr.rel @p0 .LBB2_4-.Ltmp1, $4  }
0x4c: {  	[sflag:s17] =	ssyncadd.s32 $0xFFFFC000  }
0x4d: {  	[spmem:s2] =	stream.indirect.scatter.add.f32 [tilespmem:s14], [sflag:$0x2], $0x80, s16, s16, $0xb8;
	[tilespmem:$0x18100] =	vst v63  }
0x4e: {  	_ =	swait.ge [sflag:s15], $0x4000  }
0x4f: {  	s22 =	smov.u32 s25;
	[sflag:s15] =	ssyncset.done $0x0  }
0x50: {  	s22 =	sadd.s32 s21, s13;
	[sflag:s15] =	ssyncadd.s32 $0xFFFFC000  }
0x51: {  	[tilespmem:s3], [sflag:$0x2] =	stream.linear.gather [hbm4b:s22+s3], $0x80, $0x38;
	[tilespmem:$0x18100] =	vst v63  }
0x52: {  	_ =	swait.ge [sflag:s15], $0x80  }
0x53: {  	[sflag:s15] =	ssyncset.done $0x0  }
0x54: {  	s31 =	sadd.s32 s21, s12;
	[sflag:s15] =	ssyncadd.s32 $0xFFFFFF80  }
0x55: {  	[tilespmem:s16], [sflag:$0x2] =	stream.linear.gather [hbm4b:s31+s3], $0x80, $0x38;
	[tilespmem:$0x18100] =	vst v63  }
0x56: {  	_ =	swait.ge [sflag:s15], $0x80  }
0x57: {  	[sflag:s15] =	ssyncset.done $0x0  }
0x58: {  	[sflag:s15] =	ssyncadd.s32 $0xFFFFFF80  }
0x59: {  	[tilespmem:s14], [sflag:$0x1] =	stream.indirect.gather [hbm4b:s4+s16], $0x80, s3, s16, $0xb8;
	[tilespmem:$0x18100] =	vst v63  }
0x5a: {  	_ =	swait.ge [sflag:s17], $0x4000  }
0x5b: {  	[sflag:s17] =	ssyncset.done $0x0  }
0x5c: {  	[sflag:s17] =	ssyncadd.s32 $0xFFFFC000  }
0x5d: {  	[spmem:s2] =	stream.indirect.scatter.add.f32 [tilespmem:s14], [sflag:$0x2], $0x80, s16, s16, $0xb8;
	[tilespmem:$0x18100] =	vst v63  }
0x5e: {  	_ =	swait.ge [sflag:s15], $0x4000  }
0x5f: {  	s20 =	sadd.s32 $0x1, s20;
	[sflag:s15] =	ssyncset.done $0x0  }
0x60: {  	p0 =	sne.s32 s20, s11;
	[sflag:s15] =	ssyncadd.s32 $0xFFFFC000  }
.Ltmp2:
0x61: {  	[bflag:$0x0] =	sbarrier.arrive $0xFFFF;
	(pc) =	sbr.rel @p0 .LBB2_1-.Ltmp2, $4  }
0x62: {  	[hbm:s10], [sflag:s18] =	dma.local [spmem:s19], $0x2800  }
0x63: {  	_ =	swait.ge [sflag:s15], $0x2800  }
0x64: {  	[sflag:s15] =	ssyncset.done $0x0  }
0x65: {  	[sflag:s15] =	ssyncadd.s32 $0xFFFFD800  }
0x66: {  	_ =	sfence.sel $0x180000  }
0x67: {  	[bflag:$0x0] =	sbarrier.arrive $0xFFFF  }
0x68: {  	p0 =	sne.s32 s1, $0x0;
	_ =	strace $0x9000004A  }
0x69: {  	s0 =	sadd.s32 @!p0 $0x100000, s0;
	[bflag:$0x2] =	sbarrier.arrive $0xFFFF  }
0x6a: {  	[sflag:s0] =	ssyncadd.tile.s32 @!p0 $0x1;
	_ =	shalt  }
.Lfunc_end2:
_tile_overlayer_lowered:
.L_overlay_start_2:
0x6b: {  	(tag) =	ssettag $0x2  }
0x6c: {  	s0 =	rddreg [dreg:$0x0];
	s2 =	stileid.u32  }
0x6d: {  	s1 =	rddreg [dreg:$0x1];
	p0 =	sne.s32 s2, $0x0  }
0x6e: {  	s3 =	rddreg [dreg:$0x2];
	[bflag:$0x3] =	sbarrier.arrive $0xFFFF;
	s2 =	simm.s32 @!p0 $0x1C02  }
0x6f: {  	[timem:s3], [sflag:s2] =	dma.local @!p0 [hbm:s0], s1  }
0x70: {  	s0 =	simm.s32 @!p0 $0x2  }
0x71: {  	_ =	swait.ge @!p0 [sflag:s0], s1  }
0x72: {  	s1 =	ssub.s32 @!p0 $0x0, s1;
	[sflag:s0] =	ssyncset.done @!p0 $0x0  }
0x73: {  	[sflag:s0] =	ssyncadd.s32 @!p0 s1  }
0x74: {  	[bflag:$0x3] =	sbarrier.arrive $0xFFFF  }
0x75: {  	_ =	shalt  }

// kernel: kernel.16.cloned.1.call-start
scs
__scs_entry_jumppad:
0x0: {  	(pc) =	sbr.rel $0x88, $3  }
0x1: {  	(tag) =	ssettag $0x0;
	lr =	simm.s32 $0x1  }
0x2: {  	[smem:$0x3F8D] =	sst lr;
	_ =	strace $0xD0000000  }
0x3: {  	_ = 	snop  }
0x4: {  	_ = 	snop  }
0x5: {  	_ = 	snop  }
0x6: {  	_ = 	snop  }
0x7: {  	_ = 	snop  }
__scs_overlays_trampoline_lowered:
0x8: {  	[smem:$0x3F9C] =	sst s0  }
0x9: {  	[smem:$0x3F9D] =	sst s1  }
0xa: {  	[smem:$0x3F9E] =	sst s2  }
0xb: {  	[smem:$0x3F9F] =	sst s3  }
0xc: {  	[smem:$0x3FA0] =	sst s4  }
0xd: {  	[smem:$0x3FA1] =	sst s5  }
0xe: {  	[smem:$0x3FA2] =	sst s6  }
0xf: {  	[smem:$0x3FA3] =	sst s7  }
0x10: {  	[smem:$0x3FA4] =	sst s8  }
0x11: {  	[smem:$0x3FA5] =	sst s9;
	s0 =	simm.s32 @!p0 $0x0  }
0x12: {  	s1 =	sld [smem:$0x3F8B];
	s0 =	simm.s32 @p0 $0x1  }
0x13: {  	[smem:$0x3FA6] =	sst s0;
	s0 =	simm.s32 @!p1 $0x0  }
0x14: {  	s2 =	sld [smem:$0x3F8A];
	s0 =	simm.s32 @p1 $0x1  }
0x15: {  	[smem:$0x3FA7] =	sst s0;
	s0 =	simm.s32 @!p2 $0x0  }
0x16: {  	s3 =	sld [smem:$0x3FDB];
	s0 =	simm.s32 @p2 $0x1  }
0x17: {  	s4 =	simm.s32 $0x1BF5;
	[smem:$0x3FA9] =	sst s0  }
0x18: {  	s0 =	sld [smem:$0x3F8C];
	_ =	swait.ge [sflag:s4], $0x0  }
0x19: {  	s7 =	sld [smem:$0x3F8D]  }
0x1a: {  	s8 =	sadd.s32 $0xFFFFE003, lr  }
0x1b: {  	s9 =	sadd.s32 $0xFFFFFEF7, lr;
	s5 =	simm.s32 $0xFFFFFFFF;
	p2 =	slt.u32 s8, $0xFFFFF086  }
0x1c: {  	p1 =	slt.u32 s9, $0xF7A;
	s5 =	simm.s32 @!p2 $0x0  }
0x1d: {  	s5 =	simm.s32 @p1 $0x1;
	p0 =	seq.s32 s7, s2  }
0x1e: {  	s7 =	smul.u32 @!p0 $0xF7A, s2;
	p2 =	seq.s32 @!p0 s5, $0x0  }
0x1f: {  	s9 =	smul.u32 $0xF7A, s1;
	s8 =	simm.s32 @!p0 $0x1BF5;
	p2 =	por !p2, p0  }
0x20: {  	[sflag:s8] =	ssyncset.s32 @!p0 $0xFFFFF086;
	s6 =	sadd.s32 @!p0 s3, s7;
	s7 =	simm.s32 @!p0 $0x108  }
0x21: {  	s3 =	sadd.s32 s3, s9;
	s6 =	sadd.s32 @!p0 $0x88, s6;
	s7 =	simm.s32 @p2 $0x1082  }
0x22: {  	[simem:s7], [sflag:s8] =	dma.local @!p0 [hbm:s6], $0xF7A  }
0x23: {  	s9 =	sor.u32 $0xD0000000, s2;
	s6 =	simm.s32 $0x108;
	_ =	swait.ge @!p0 [sflag:s8], $0x0  }
0x24: {  	s3 =	sadd.s32 $0x88, s3;
	s6 =	simm.s32 @!p1 $0x1082;
	[sflag:s4] =	ssyncset.s32 $0xFFFFF086  }
0x25: {  	[simem:s6], [sflag:s4] =	dma.local [hbm:s3], $0xF7A  }
0x26: {  	[smem:$0x3F8D] =	sst s1;
	(tag) =	ssettag s2;
	_ =	strace s9  }
0x27: {  	s1 =	sld [smem:$0x3F9D]  }
0x28: {  	s2 =	sld [smem:$0x3F9E]  }
0x29: {  	s4 =	sld [smem:$0x3FA0]  }
0x2a: {  	p0 =	seq.s32 s5, $0x0;
	s5 =	sld [smem:$0x3FA1]  }
0x2b: {  	s6 =	sld [smem:$0x3FA2]  }
0x2c: {  	s7 =	sld [smem:$0x3FA3]  }
0x2d: {  	s3 =	simm.s32 $0x108;
	s8 =	sld [smem:$0x3FA4]  }
0x2e: {  	s3 =	simm.s32 @!p0 $0x1082;
	s9 =	sld [smem:$0x3FA5]  }
0x2f: {  	lr =	sadd.s32 s0, s3;
	s0 =	sld [smem:$0x3F9C]  }
0x30: {  	s3 =	sld [smem:$0x3F9F]  }
0x31: {  	[smem:$0x3FA8] =	sst s10  }
0x32: {  	s10 =	sld [smem:$0x3FA6];
	_ =	sdelay $0x3  }
0x33: {  	p0 =	seq.s32 s10, $0x1;
	s10 =	sld [smem:$0x3FA8];
	_ =	sdelay $0x3  }
0x34: {  	[smem:$0x3FA8] =	sst s10  }
0x35: {  	s10 =	sld [smem:$0x3FA7];
	_ =	sdelay $0x3  }
0x36: {  	p1 =	seq.s32 s10, $0x1;
	s10 =	sld [smem:$0x3FA8];
	_ =	sdelay $0x3  }
0x37: {  	[smem:$0x3FA8] =	sst s10  }
0x38: {  	s10 =	sld [smem:$0x3FA9]  }
0x39: {  	_ = 	snop;
	(pc) =	sbr.ind lr, $3  }
0x3a: {  	_ = 	snop  }
0x3b: {  	_ = 	snop  }
0x3c: {  	p2 =	seq.s32 s10, $0x1;
	s10 =	sld [smem:$0x3FA8]  }
0x3d: {  	_ =	shalt  }
0x3e: {  	_ =	shalt  }
0x3f: {  	_ =	shalt  }
0x40: {  	_ =	shalt  }
0x41: {  	_ =	shalt  }
0x42: {  	_ =	shalt  }
0x43: {  	_ =	shalt  }
0x44: {  	_ =	shalt  }
0x45: {  	_ =	shalt  }
0x46: {  	_ =	shalt  }
0x47: {  	_ =	shalt  }
0x48: {  	_ =	shalt  }
0x49: {  	_ =	shalt  }
0x4a: {  	_ =	shalt  }
0x4b: {  	_ =	shalt  }
0x4c: {  	_ =	shalt  }
0x4d: {  	_ =	shalt  }
0x4e: {  	_ =	shalt  }
0x4f: {  	_ =	shalt  }
0x50: {  	_ =	shalt  }
0x51: {  	_ =	shalt  }
0x52: {  	_ =	shalt  }
0x53: {  	_ =	shalt  }
0x54: {  	_ =	shalt  }
0x55: {  	_ =	shalt  }
0x56: {  	_ =	shalt  }
0x57: {  	_ =	shalt  }
0x58: {  	_ =	shalt  }
0x59: {  	_ =	shalt  }
0x5a: {  	_ =	shalt  }
0x5b: {  	_ =	shalt  }
0x5c: {  	_ =	shalt  }
0x5d: {  	_ =	shalt  }
0x5e: {  	_ =	shalt  }
0x5f: {  	_ =	shalt  }
0x60: {  	_ =	shalt  }
0x61: {  	_ =	shalt  }
0x62: {  	_ =	shalt  }
0x63: {  	_ =	shalt  }
0x64: {  	_ =	shalt  }
0x65: {  	_ =	shalt  }
0x66: {  	_ =	shalt  }
0x67: {  	_ =	shalt  }
0x68: {  	_ =	shalt  }
0x69: {  	_ =	shalt  }
0x6a: {  	_ =	shalt  }
0x6b: {  	_ =	shalt  }
0x6c: {  	_ =	shalt  }
0x6d: {  	_ =	shalt  }
0x6e: {  	_ =	shalt  }
0x6f: {  	_ =	shalt  }
0x70: {  	_ =	shalt  }
0x71: {  	_ =	shalt  }
0x72: {  	_ =	shalt  }
0x73: {  	_ =	shalt  }
0x74: {  	_ =	shalt  }
0x75: {  	_ =	shalt  }
0x76: {  	_ =	shalt  }
0x77: {  	_ =	shalt  }
0x78: {  	_ =	shalt  }
0x79: {  	_ =	shalt  }
0x7a: {  	_ =	shalt  }
0x7b: {  	_ =	shalt  }
0x7c: {  	_ =	shalt  }
0x7d: {  	_ =	shalt  }
0x7e: {  	_ =	shalt  }
0x7f: {  	_ =	shalt  }
0x80: {  	_ =	shalt  }
0x81: {  	_ =	shalt  }
0x82: {  	_ =	shalt  }
0x83: {  	_ =	shalt  }
0x84: {  	_ =	shalt  }
0x85: {  	_ =	shalt  }
0x86: {  	_ =	shalt  }
0x87: {  	_ =	shalt  }
.Lfunc_end0:
.L_simem_size_0:
called_computation.2_lowered:
.L_overlay_start_0:
0x88: {  	s2 =	sld [smem:$0x3FD9]  }
0x89: {  	s3 =	sld [smem:$0x3FFE];
	_ =	sdelay $0x1  }
0x8a: {  	s1 =	srdreg.scid  }
0x8b: {  	s0 =	sand.u32 $0x1, s1  }
0x8c: {  	s17 =	sshll.u32 s0, $0xA;
	s2 =	sadd.s32 s3, s2  }
0x8d: {  	s2 =	sadd.s32 s2, s17  }
0x8e: {  	[smem:$0x3FB4] =	sst s2  }
0x8f: {  	_ = 	snop  }
0x90: {  	s2 =	sld [smem:$0x3FD0];
	(tm) =	ssettm $0x1  }
0x91: {  	s18 =	sld [smem:$0x3FFB];
	_ =	sdelay $0x3  }
0x92: {  	_ =	strace s18  }
0x93: {  	s3 =	sld [smem:$0x3FFC];
	_ =	sdelay $0x3  }
0x94: {  	_ =	strace s3  }
0x95: {  	s3 =	sld [smem:$0x3FFD];
	_ =	sdelay $0x3  }
0x96: {  	_ =	strace s3  }
0x97: {  	_ =	strace $0x8FFFFFFF  }
0x98: {  	s19 =	sld [smem:$0x3FDB];
	_ =	sdelay $0x1  }
0x99: {  	s4 =	simm.s32 $_scs_section_size  }
0x9a: {  	s5 =	simm.s32 $_size__tile_overlayer_lowered;
	s6 =	simm.s32 $_tile_overlayer_lowered  }
0x9b: {  	s22 =	simm.s32 $0x1BFF;
	s21 =	sshll.u32 s6, $0x1;
	s3 =	sadd.s32 s4, s19  }
0x9c: {  	s7 =	simm.s32 $0x0;
	s20 =	sshll.u32 s5, $0x1;
	s5 =	sadd.s32 s21, s3  }
0x9d: {  	[timem:s7], [sflag:s22] =	dma.local [hbm:s5], s20  }
0x9e: {  	_ =	swait.ge [sflag:s22], s20  }
0x9f: {  	s4 =	ssub.s32 $0x0, s20;
	[sflag:s22] =	ssyncset.done $0x0  }
0xa0: {  	[sflag:s22] =	ssyncadd.s32 s4;
	_ =	sdelay $0x1  }
0xa1: {  	s23 =	simm.s32 $0x1B8B  }
0xa2: {  	_ =	swait.ge [sflag:s23], $0x1  }
0xa3: {  	[sflag:s23] =	ssyncset.done $0x0  }
0xa4: {  	s25 =	simm.s32 $0x1B8E;
	s24 =	sld [smem:$0x3FFE];
	[sflag:s23] =	ssyncadd.s32 $0xFFFFFFFF  }
0xa5: {  	s26 =	simm.s32 $execute0_lowered;
	[smem:$0x3FD2] =	sst s25  }
0xa6: {  	s5 =	sshll.u32 s26, $0x1;
	_ =	strace $0x8000004C;
	[dreg:$0x1] =	wrdreg $0xFFFFFFFF  }
0xa7: {  	s28 =	simm.s32 $_size_execute0_lowered;
	s3 =	sadd.s32 s3, s5;
	[dreg:$0x0] =	wrdreg $0x0  }
0xa8: {  	s5 =	sshll.u32 s28, $0x1;
	[dreg:$0x2] =	wrdreg s3  }
0xa9: {  	[dreg:$0x3] =	wrdreg s5  }
0xaa: {  	[dreg:$0x4] =	wrdreg $0xC0  }
0xab: {  	_ =	task [dreg:s7], $0x5FFFF  }
0xac: {  	[dreg:$0x1] =	wrdreg $0xFFFFFFFF  }
0xad: {  	[dreg:$0x0] =	wrdreg $0x60  }
0xae: {  	[dreg:$0x2] =	wrdreg s24  }
0xaf: {  	[dreg:$0x3] =	wrdreg s2  }
0xb0: {  	[dreg:$0x4] =	wrdreg $0x41000  }
0xb1: {  	[dreg:$0x5] =	wrdreg $0x9  }
0xb2: {  	_ =	task.clear_ibuf [dreg:s7], $0x6FFFF;
	_ =	strace $0x9000004C  }
0xb3: {  	s29 =	simm.s32 $0x9;
	_ =	strace $0x8000004E  }
0xb4: {  	_ =	swait.ge [sflag:s29], $0x1  }
0xb5: {  	[sflag:s29] =	ssyncadd.s32 $0xFFFFFFFF  }
0xb6: {  	_ =	strace $0x9000004E  }
0xb7: {  	_ =	sfence  }
0xb8: {  	s30 =	sld [smem:$0x0];
	_ =	sdelay $0x2  }
0xb9: {  	s31 =	sshll.u32 s1, $0xD;
	s1 =	sshrl.u32 s1, $0x2  }
0xba: {  	s3 =	sand.u32 $0x4000, s31;
	s1 =	sadd.s32 s1, s30  }
0xbb: {  	s0 =	sor.u32 s3, s0;
	s1 =	sshll.u32 s1, $0x11  }
0xbc: {  	s0 =	sor.u32 s1, s0  }
0xbd: {  	s0 =	sadd.s32 $0x8F2B, s0  }
0xbe: {  	[sflag:s0] =	ssyncadd.remote.s32 $0x1  }
0xbf: {  	_ =	sfence.sel $0xFFFF  }
0xc0: {  	[dreg:$0x0] =	wrdreg $0xFFFFFFFF;
	(pc) =	sbr.abs _section_cstart, $3  }
0xc1: {  	[dreg:$0x1] =	wrdreg $0xFFFFFFFF  }
0xc2: {  	_ =	task.clear_ibuf [dreg:s7], $0x2FFFF;
	_ =	strace $0x9FFFFFFF  }
0xc3: {  	(tm) =	ssettm $0x7FFFFFFF  }
tec
execute0_lowered:
.L_overlay_start_1:
0x0: {  	(tag) =	ssettag $0x1  }
0x1: {  	s6 =	rddreg [dreg:$0x0];
	s0 =	srdreg.scid  }
0x2: {  	s11 =	rddreg [dreg:$0x1];
	s1 =	stileid.u32  }
0x3: {  	s2 =	rddreg [dreg:$0x2];
	s3 =	simm.s32 $0x0;
	s8 =	smul.u32 $0x14000, s1  }
0x4: {  	s16 =	simm.s32 $0x80;
	s17 =	simm.s32 $0x1;
	s9 =	smul.u32 $0x50000, s1  }
0x5: {  	s5 =	sand.u32 $0x1, s0;
	s0 =	rddreg [dreg:$0x3];
	s15 =	smul.u32 $0x4F0, s1  }
0x6: {  	s20 =	simm.s32 $0x0;
	[smem:$0x7FF] =	sst s3;
	s12 =	smul.u32 $0x4F00, s5  }
0x7: {  	s4 =	sadd.s32 $0xFA00, s6;
	s18 =	sshll.u32 s1, $0x6;
	s7 =	smul.u32 $0x140000, s5  }
0x8: {  	_ =	strace $0x8000004D;
	s29 =	ssub.s32 $0x2, s5;
	s18 =	sor.u32 $0x1C02, s18  }
0x9: {  	s30 =	sshrl.u32 s9, $0x2;
	s31 =	sshrl.u32 s29, $0x1;
	s13 =	sadd.s32 s12, s6  }
0xa: {  	s7 =	sadd.s32 s8, s7;
	s5 =	sadd.s32 s30, s2;
	s14 =	ssub.s32 s29, s31  }
0xb: {  	s12 =	sadd.s32 s12, s11;
	s7 =	sshrl.u32 s7, $0x3;
	s8 =	sadd.s32 $0xC000, s5  }
0xc: {  	s9 =	sadd.s32 $0x10000, s5;
	s11 =	smax.u32 s14, $0x1;
	s12 =	sadd.s32 s15, s12  }
0xd: {  	s13 =	sadd.s32 s15, s13;
	s14 =	simm.s32 $0x100;
	s15 =	simm.s32 $0x2  }
0xe: {  	s19 =	sshrl.u32 s5, $0x3;
	s10 =	sadd.s32 s7, s6;
	s6 =	sadd.s32 $0x4000, s5  }
0xf: {  	v0 =	vimm.f32 $0.0e+00;
	s7 =	sadd.s32 $0x8000, s5;
	s13 =	sadd.s32 $0x5C00, s13;
	s10 =	sadd.s32 $0x5FA00, s10  }
.LBB2_1:
0x10: {  	s21 =	sand.u32 $0xFE00, s3  }
0x11: {  	s22 =	sand.u32 $0x70, s3;
	s23 =	sshrl.u32 s21, $0x2  }
0x12: {  	s21 =	simm.s32 $0x40;
	s23 =	sor.u32 s22, s23;
	s22 =	simm.s32 $0x0  }
.LBB2_2:
0x13: {  	p0 =	sne.s32 s21, $0xFFC0  }
0x14: {  	[tilespmem:s23+$0x100] =	vst v0;
	s22 =	sadd.s32 $0x10, s22;
	s23 =	smov.u32 s21;
	s21 =	sadd.s32 $0x40, s21  }
.Ltmp0:
0x15: {  	(pc) =	sbr.rel @p0 .LBB2_2-.Ltmp0, $4  }
0x16: {  	_ = 	snop  }
0x17: {  	s23 =	sand.u32 $0xFE00, s23  }
0x18: {  	s24 =	sand.u32 $0x70, s22;
	s23 =	sshrl.u32 s23, $0x2  }
0x19: {  	s23 =	sor.u32 s24, s23  }
0x1a: {  	[tilespmem:s23+$0x100] =	vst v0  }
0x1b: {  	[spmem:s5] =	stream.linear.scatter [tilespmem:s14], [sflag:$0x2], $0x4000, $0x38;
	[tilespmem:$0x18100] =	vst v63  }
0x1c: {  	_ =	swait.ge [sflag:s15], $0x4000  }
0x1d: {  	[sflag:s15] =	ssyncset.done $0x0  }
0x1e: {  	[sflag:s15] =	ssyncadd.s32 $0xFFFFC000  }
0x1f: {  	[spmem:s6] =	stream.linear.scatter [tilespmem:s14], [sflag:$0x2], $0x4000, $0x38;
	[tilespmem:$0x18100] =	vst v63  }
0x20: {  	_ =	swait.ge [sflag:s15], $0x4000  }
0x21: {  	[sflag:s15] =	ssyncset.done $0x0  }
0x22: {  	[sflag:s15] =	ssyncadd.s32 $0xFFFFC000  }
0x23: {  	[spmem:s7] =	stream.linear.scatter [tilespmem:s14], [sflag:$0x2], $0x4000, $0x38;
	[tilespmem:$0x18100] =	vst v63  }
0x24: {  	_ =	swait.ge [sflag:s15], $0x4000  }
0x25: {  	[sflag:s15] =	ssyncset.done $0x0  }
0x26: {  	[sflag:s15] =	ssyncadd.s32 $0xFFFFC000  }
0x27: {  	[spmem:s8] =	stream.linear.scatter [tilespmem:s14], [sflag:$0x2], $0x4000, $0x38;
	[tilespmem:$0x18100] =	vst v63  }
0x28: {  	_ =	swait.ge [sflag:s15], $0x4000  }
0x29: {  	[sflag:s15] =	ssyncset.done $0x0  }
0x2a: {  	[sflag:s15] =	ssyncadd.s32 $0xFFFFC000  }
0x2b: {  	[spmem:s9] =	stream.linear.scatter [tilespmem:s14], [sflag:$0x2], $0x4000, $0x38;
	[tilespmem:$0x18100] =	vst v63  }
0x2c: {  	_ =	swait.ge [sflag:s15], $0x4000  }
0x2d: {  	[sflag:s15] =	ssyncset.done $0x0  }
0x2e: {  	[sflag:s15] =	ssyncadd.s32 $0xFFFFC000  }
0x2f: {  	s21 =	sadd.s32 $0x0, s13;
	[bflag:$0x0] =	sbarrier.arrive $0xFFFF  }
0x30: {  	[tilespmem:s3], [sflag:$0x2] =	stream.linear.gather [hbm4b:s21+s3], $0x80, $0x38;
	[tilespmem:$0x18100] =	vst v63  }
0x31: {  	_ =	swait.ge [sflag:s15], $0x80  }
0x32: {  	[sflag:s15] =	ssyncset.done $0x0  }
0x33: {  	s31 =	sadd.s32 $0x0, s12;
	[sflag:s15] =	ssyncadd.s32 $0xFFFFFF80  }
0x34: {  	[tilespmem:s16], [sflag:$0x2] =	stream.linear.gather [hbm4b:s31+s3], $0x80, $0x38;
	[tilespmem:$0x18100] =	vst v63  }
0x35: {  	_ =	swait.ge [sflag:s15], $0x80  }
0x36: {  	[sflag:s15] =	ssyncset.done $0x0  }
0x37: {  	[sflag:s15] =	ssyncadd.s32 $0xFFFFFF80  }
0x38: {  	[tilespmem:s14], [sflag:$0x1] =	stream.indirect.gather [hbm4b:s4+s16], $0x80, s3, s16, $0xb8;
	[tilespmem:$0x18100] =	vst v63  }
0x39: {  	_ =	swait.ge [sflag:s17], $0x4000  }
0x3a: {  	[sflag:s17] =	ssyncset.done $0x0  }
0x3b: {  	[sflag:s17] =	ssyncadd.s32 $0xFFFFC000  }
0x3c: {  	[spmem:s2] =	stream.indirect.scatter.add.f32 [tilespmem:s14], [sflag:$0x2], $0x80, s16, s16, $0xb8;
	[tilespmem:$0x18100] =	vst v63  }
0x3d: {  	_ =	swait.ge [sflag:s15], $0x4000  }
0x3e: {  	s22 =	simm.s32 $0x20;
	s21 =	simm.s32 $0x10;
	[sflag:s15] =	ssyncset.done $0x0  }
.LBB2_4:
0x3f: {  	s23 =	sadd.s32 s21, s13  }
0x40: {  	[sflag:s15] =	ssyncadd.s32 $0xFFFFC000;
	s24 =	smov.u32 s22;
	s25 =	sadd.s32 $0x10, s22  }
0x41: {  	[tilespmem:s3], [sflag:$0x2] =	stream.linear.gather [hbm4b:s23+s3], $0x80, $0x38;
	[tilespmem:$0x18100] =	vst v63  }
0x42: {  	p0 =	sne.s32 s22, $0x4E0;
	_ =	swait.ge [sflag:s15], $0x80  }
0x43: {  	[sflag:s15] =	ssyncset.done $0x0  }
0x44: {  	s22 =	sadd.s32 s21, s12;
	s21 =	smov.u32 s24;
	[sflag:s15] =	ssyncadd.s32 $0xFFFFFF80  }
0x45: {  	[tilespmem:s16], [sflag:$0x2] =	stream.linear.gather [hbm4b:s22+s3], $0x80, $0x38;
	[tilespmem:$0x18100] =	vst v63  }
0x46: {  	_ =	swait.ge [sflag:s15], $0x80  }
0x47: {  	[sflag:s15] =	ssyncset.done $0x0  }
0x48: {  	[sflag:s15] =	ssyncadd.s32 $0xFFFFFF80  }
0x49: {  	[tilespmem:s14], [sflag:$0x1] =	stream.indirect.gather [hbm4b:s4+s16], $0x80, s3, s16, $0xb8;
	[tilespmem:$0x18100] =	vst v63  }
0x4a: {  	_ =	swait.ge [sflag:s17], $0x4000  }
.Ltmp1:
0x4b: {  	[sflag:s17] =	ssyncset.done $0x0;
	(pc) =	sbr.rel @p0 .LBB2_4-.Ltmp1, $4  }
0x4c: {  	[sflag:s17] =	ssyncadd.s32 $0xFFFFC000  }
0x4d: {  	[spmem:s2] =	stream.indirect.scatter.add.f32 [tilespmem:s14], [sflag:$0x2], $0x80, s16, s16, $0xb8;
	[tilespmem:$0x18100] =	vst v63  }
0x4e: {  	_ =	swait.ge [sflag:s15], $0x4000  }
0x4f: {  	s22 =	smov.u32 s25;
	[sflag:s15] =	ssyncset.done $0x0  }
0x50: {  	s22 =	sadd.s32 s21, s13;
	[sflag:s15] =	ssyncadd.s32 $0xFFFFC000  }
0x51: {  	[tilespmem:s3], [sflag:$0x2] =	stream.linear.gather [hbm4b:s22+s3], $0x80, $0x38;
	[tilespmem:$0x18100] =	vst v63  }
0x52: {  	_ =	swait.ge [sflag:s15], $0x80  }
0x53: {  	[sflag:s15] =	ssyncset.done $0x0  }
0x54: {  	s31 =	sadd.s32 s21, s12;
	[sflag:s15] =	ssyncadd.s32 $0xFFFFFF80  }
0x55: {  	[tilespmem:s16], [sflag:$0x2] =	stream.linear.gather [hbm4b:s31+s3], $0x80, $0x38;
	[tilespmem:$0x18100] =	vst v63  }
0x56: {  	_ =	swait.ge [sflag:s15], $0x80  }
0x57: {  	[sflag:s15] =	ssyncset.done $0x0  }
0x58: {  	[sflag:s15] =	ssyncadd.s32 $0xFFFFFF80  }
0x59: {  	[tilespmem:s14], [sflag:$0x1] =	stream.indirect.gather [hbm4b:s4+s16], $0x80, s3, s16, $0xb8;
	[tilespmem:$0x18100] =	vst v63  }
0x5a: {  	_ =	swait.ge [sflag:s17], $0x4000  }
0x5b: {  	[sflag:s17] =	ssyncset.done $0x0  }
0x5c: {  	[sflag:s17] =	ssyncadd.s32 $0xFFFFC000  }
0x5d: {  	[spmem:s2] =	stream.indirect.scatter.add.f32 [tilespmem:s14], [sflag:$0x2], $0x80, s16, s16, $0xb8;
	[tilespmem:$0x18100] =	vst v63  }
0x5e: {  	_ =	swait.ge [sflag:s15], $0x4000  }
0x5f: {  	s20 =	sadd.s32 $0x1, s20;
	[sflag:s15] =	ssyncset.done $0x0  }
0x60: {  	p0 =	sne.s32 s20, s11;
	[sflag:s15] =	ssyncadd.s32 $0xFFFFC000  }
.Ltmp2:
0x61: {  	[bflag:$0x0] =	sbarrier.arrive $0xFFFF;
	(pc) =	sbr.rel @p0 .LBB2_1-.Ltmp2, $4  }
0x62: {  	[hbm:s10], [sflag:s18] =	dma.local [spmem:s19], $0x2800  }
0x63: {  	_ =	swait.ge [sflag:s15], $0x2800  }
0x64: {  	[sflag:s15] =	ssyncset.done $0x0  }
0x65: {  	[sflag:s15] =	ssyncadd.s32 $0xFFFFD800  }
0x66: {  	_ =	sfence.sel $0x180000  }
0x67: {  	[bflag:$0x0] =	sbarrier.arrive $0xFFFF  }
0x68: {  	p0 =	sne.s32 s1, $0x0;
	_ =	strace $0x9000004D  }
0x69: {  	s0 =	sadd.s32 @!p0 $0x100000, s0;
	[bflag:$0x2] =	sbarrier.arrive $0xFFFF  }
0x6a: {  	[sflag:s0] =	ssyncadd.tile.s32 @!p0 $0x1;
	_ =	shalt  }
.Lfunc_end2:
_tile_overlayer_lowered:
.L_overlay_start_2:
0x6b: {  	(tag) =	ssettag $0x2  }
0x6c: {  	s0 =	rddreg [dreg:$0x0];
	s2 =	stileid.u32  }
0x6d: {  	s1 =	rddreg [dreg:$0x1];
	p0 =	sne.s32 s2, $0x0  }
0x6e: {  	s3 =	rddreg [dreg:$0x2];
	[bflag:$0x3] =	sbarrier.arrive $0xFFFF;
	s2 =	simm.s32 @!p0 $0x1C02  }
0x6f: {  	[timem:s3], [sflag:s2] =	dma.local @!p0 [hbm:s0], s1  }
0x70: {  	s0 =	simm.s32 @!p0 $0x2  }
0x71: {  	_ =	swait.ge @!p0 [sflag:s0], s1  }
0x72: {  	s1 =	ssub.s32 @!p0 $0x0, s1;
	[sflag:s0] =	ssyncset.done @!p0 $0x0  }
0x73: {  	[sflag:s0] =	ssyncadd.s32 @!p0 s1  }
0x74: {  	[bflag:$0x3] =	sbarrier.arrive $0xFFFF  }
0x75: {  	_ =	shalt  }

// kernel: kernel.19.cloned.1.call-start
scs
__scs_entry_jumppad:
0x0: {  	(pc) =	sbr.rel $0x88, $3  }
0x1: {  	(tag) =	ssettag $0x0;
	lr =	simm.s32 $0x1  }
0x2: {  	[smem:$0x3F8D] =	sst lr;
	_ =	strace $0xD0000000  }
0x3: {  	_ = 	snop  }
0x4: {  	_ = 	snop  }
0x5: {  	_ = 	snop  }
0x6: {  	_ = 	snop  }
0x7: {  	_ = 	snop  }
__scs_overlays_trampoline_lowered:
0x8: {  	[smem:$0x3F9C] =	sst s0  }
0x9: {  	[smem:$0x3F9D] =	sst s1  }
0xa: {  	[smem:$0x3F9E] =	sst s2  }
0xb: {  	[smem:$0x3F9F] =	sst s3  }
0xc: {  	[smem:$0x3FA0] =	sst s4  }
0xd: {  	[smem:$0x3FA1] =	sst s5  }
0xe: {  	[smem:$0x3FA2] =	sst s6  }
0xf: {  	[smem:$0x3FA3] =	sst s7  }
0x10: {  	[smem:$0x3FA4] =	sst s8  }
0x11: {  	[smem:$0x3FA5] =	sst s9;
	s0 =	simm.s32 @!p0 $0x0  }
0x12: {  	s1 =	sld [smem:$0x3F8B];
	s0 =	simm.s32 @p0 $0x1  }
0x13: {  	[smem:$0x3FA6] =	sst s0;
	s0 =	simm.s32 @!p1 $0x0  }
0x14: {  	s2 =	sld [smem:$0x3F8A];
	s0 =	simm.s32 @p1 $0x1  }
0x15: {  	[smem:$0x3FA7] =	sst s0;
	s0 =	simm.s32 @!p2 $0x0  }
0x16: {  	s3 =	sld [smem:$0x3FDB];
	s0 =	simm.s32 @p2 $0x1  }
0x17: {  	s4 =	simm.s32 $0x1BF5;
	[smem:$0x3FA9] =	sst s0  }
0x18: {  	s0 =	sld [smem:$0x3F8C];
	_ =	swait.ge [sflag:s4], $0x0  }
0x19: {  	s7 =	sld [smem:$0x3F8D]  }
0x1a: {  	s8 =	sadd.s32 $0xFFFFE003, lr  }
0x1b: {  	s9 =	sadd.s32 $0xFFFFFEF7, lr;
	s5 =	simm.s32 $0xFFFFFFFF;
	p2 =	slt.u32 s8, $0xFFFFF086  }
0x1c: {  	p1 =	slt.u32 s9, $0xF7A;
	s5 =	simm.s32 @!p2 $0x0  }
0x1d: {  	s5 =	simm.s32 @p1 $0x1;
	p0 =	seq.s32 s7, s2  }
0x1e: {  	s7 =	smul.u32 @!p0 $0xF7A, s2;
	p2 =	seq.s32 @!p0 s5, $0x0  }
0x1f: {  	s9 =	smul.u32 $0xF7A, s1;
	s8 =	simm.s32 @!p0 $0x1BF5;
	p2 =	por !p2, p0  }
0x20: {  	[sflag:s8] =	ssyncset.s32 @!p0 $0xFFFFF086;
	s6 =	sadd.s32 @!p0 s3, s7;
	s7 =	simm.s32 @!p0 $0x108  }
0x21: {  	s3 =	sadd.s32 s3, s9;
	s6 =	sadd.s32 @!p0 $0x88, s6;
	s7 =	simm.s32 @p2 $0x1082  }
0x22: {  	[simem:s7], [sflag:s8] =	dma.local @!p0 [hbm:s6], $0xF7A  }
0x23: {  	s9 =	sor.u32 $0xD0000000, s2;
	s6 =	simm.s32 $0x108;
	_ =	swait.ge @!p0 [sflag:s8], $0x0  }
0x24: {  	s3 =	sadd.s32 $0x88, s3;
	s6 =	simm.s32 @!p1 $0x1082;
	[sflag:s4] =	ssyncset.s32 $0xFFFFF086  }
0x25: {  	[simem:s6], [sflag:s4] =	dma.local [hbm:s3], $0xF7A  }
0x26: {  	[smem:$0x3F8D] =	sst s1;
	(tag) =	ssettag s2;
	_ =	strace s9  }
0x27: {  	s1 =	sld [smem:$0x3F9D]  }
0x28: {  	s2 =	sld [smem:$0x3F9E]  }
0x29: {  	s4 =	sld [smem:$0x3FA0]  }
0x2a: {  	p0 =	seq.s32 s5, $0x0;
	s5 =	sld [smem:$0x3FA1]  }
0x2b: {  	s6 =	sld [smem:$0x3FA2]  }
0x2c: {  	s7 =	sld [smem:$0x3FA3]  }
0x2d: {  	s3 =	simm.s32 $0x108;
	s8 =	sld [smem:$0x3FA4]  }
0x2e: {  	s3 =	simm.s32 @!p0 $0x1082;
	s9 =	sld [smem:$0x3FA5]  }
0x2f: {  	lr =	sadd.s32 s0, s3;
	s0 =	sld [smem:$0x3F9C]  }
0x30: {  	s3 =	sld [smem:$0x3F9F]  }
0x31: {  	[smem:$0x3FA8] =	sst s10  }
0x32: {  	s10 =	sld [smem:$0x3FA6];
	_ =	sdelay $0x3  }
0x33: {  	p0 =	seq.s32 s10, $0x1;
	s10 =	sld [smem:$0x3FA8];
	_ =	sdelay $0x3  }
0x34: {  	[smem:$0x3FA8] =	sst s10  }
0x35: {  	s10 =	sld [smem:$0x3FA7];
	_ =	sdelay $0x3  }
0x36: {  	p1 =	seq.s32 s10, $0x1;
	s10 =	sld [smem:$0x3FA8];
	_ =	sdelay $0x3  }
0x37: {  	[smem:$0x3FA8] =	sst s10  }
0x38: {  	s10 =	sld [smem:$0x3FA9]  }
0x39: {  	_ = 	snop;
	(pc) =	sbr.ind lr, $3  }
0x3a: {  	_ = 	snop  }
0x3b: {  	_ = 	snop  }
0x3c: {  	p2 =	seq.s32 s10, $0x1;
	s10 =	sld [smem:$0x3FA8]  }
0x3d: {  	_ =	shalt  }
0x3e: {  	_ =	shalt  }
0x3f: {  	_ =	shalt  }
0x40: {  	_ =	shalt  }
0x41: {  	_ =	shalt  }
0x42: {  	_ =	shalt  }
0x43: {  	_ =	shalt  }
0x44: {  	_ =	shalt  }
0x45: {  	_ =	shalt  }
0x46: {  	_ =	shalt  }
0x47: {  	_ =	shalt  }
0x48: {  	_ =	shalt  }
0x49: {  	_ =	shalt  }
0x4a: {  	_ =	shalt  }
0x4b: {  	_ =	shalt  }
0x4c: {  	_ =	shalt  }
0x4d: {  	_ =	shalt  }
0x4e: {  	_ =	shalt  }
0x4f: {  	_ =	shalt  }
0x50: {  	_ =	shalt  }
0x51: {  	_ =	shalt  }
0x52: {  	_ =	shalt  }
0x53: {  	_ =	shalt  }
0x54: {  	_ =	shalt  }
0x55: {  	_ =	shalt  }
0x56: {  	_ =	shalt  }
0x57: {  	_ =	shalt  }
0x58: {  	_ =	shalt  }
0x59: {  	_ =	shalt  }
0x5a: {  	_ =	shalt  }
0x5b: {  	_ =	shalt  }
0x5c: {  	_ =	shalt  }
0x5d: {  	_ =	shalt  }
0x5e: {  	_ =	shalt  }
0x5f: {  	_ =	shalt  }
0x60: {  	_ =	shalt  }
0x61: {  	_ =	shalt  }
0x62: {  	_ =	shalt  }
0x63: {  	_ =	shalt  }
0x64: {  	_ =	shalt  }
0x65: {  	_ =	shalt  }
0x66: {  	_ =	shalt  }
0x67: {  	_ =	shalt  }
0x68: {  	_ =	shalt  }
0x69: {  	_ =	shalt  }
0x6a: {  	_ =	shalt  }
0x6b: {  	_ =	shalt  }
0x6c: {  	_ =	shalt  }
0x6d: {  	_ =	shalt  }
0x6e: {  	_ =	shalt  }
0x6f: {  	_ =	shalt  }
0x70: {  	_ =	shalt  }
0x71: {  	_ =	shalt  }
0x72: {  	_ =	shalt  }
0x73: {  	_ =	shalt  }
0x74: {  	_ =	shalt  }
0x75: {  	_ =	shalt  }
0x76: {  	_ =	shalt  }
0x77: {  	_ =	shalt  }
0x78: {  	_ =	shalt  }
0x79: {  	_ =	shalt  }
0x7a: {  	_ =	shalt  }
0x7b: {  	_ =	shalt  }
0x7c: {  	_ =	shalt  }
0x7d: {  	_ =	shalt  }
0x7e: {  	_ =	shalt  }
0x7f: {  	_ =	shalt  }
0x80: {  	_ =	shalt  }
0x81: {  	_ =	shalt  }
0x82: {  	_ =	shalt  }
0x83: {  	_ =	shalt  }
0x84: {  	_ =	shalt  }
0x85: {  	_ =	shalt  }
0x86: {  	_ =	shalt  }
0x87: {  	_ =	shalt  }
.Lfunc_end0:
.L_simem_size_0:
called_computation.3_lowered:
.L_overlay_start_0:
0x88: {  	s2 =	sld [smem:$0x3FD9]  }
0x89: {  	s3 =	sld [smem:$0x3FFE];
	_ =	sdelay $0x1  }
0x8a: {  	s1 =	srdreg.scid  }
0x8b: {  	s0 =	sand.u32 $0x1, s1  }
0x8c: {  	s17 =	sshll.u32 s0, $0xA;
	s2 =	sadd.s32 s3, s2  }
0x8d: {  	s2 =	sadd.s32 s2, s17  }
0x8e: {  	[smem:$0x3FB4] =	sst s2  }
0x8f: {  	_ = 	snop  }
0x90: {  	s2 =	sld [smem:$0x3FD0];
	(tm) =	ssettm $0x1  }
0x91: {  	s18 =	sld [smem:$0x3FFB];
	_ =	sdelay $0x3  }
0x92: {  	_ =	strace s18  }
0x93: {  	s3 =	sld [smem:$0x3FFC];
	_ =	sdelay $0x3  }
0x94: {  	_ =	strace s3  }
0x95: {  	s3 =	sld [smem:$0x3FFD];
	_ =	sdelay $0x3  }
0x96: {  	_ =	strace s3  }
0x97: {  	_ =	strace $0x8FFFFFFF  }
0x98: {  	s19 =	sld [smem:$0x3FDB];
	_ =	sdelay $0x1  }
0x99: {  	s4 =	simm.s32 $_scs_section_size  }
0x9a: {  	s5 =	simm.s32 $_size__tile_overlayer_lowered;
	s6 =	simm.s32 $_tile_overlayer_lowered  }
0x9b: {  	s22 =	simm.s32 $0x1BFF;
	s21 =	sshll.u32 s6, $0x1;
	s3 =	sadd.s32 s4, s19  }
0x9c: {  	s7 =	simm.s32 $0x0;
	s20 =	sshll.u32 s5, $0x1;
	s5 =	sadd.s32 s21, s3  }
0x9d: {  	[timem:s7], [sflag:s22] =	dma.local [hbm:s5], s20  }
0x9e: {  	_ =	swait.ge [sflag:s22], s20  }
0x9f: {  	s4 =	ssub.s32 $0x0, s20;
	[sflag:s22] =	ssyncset.done $0x0  }
0xa0: {  	[sflag:s22] =	ssyncadd.s32 s4;
	_ =	sdelay $0x1  }
0xa1: {  	s23 =	simm.s32 $0x1B8B  }
0xa2: {  	_ =	swait.ge [sflag:s23], $0x1  }
0xa3: {  	[sflag:s23] =	ssyncset.done $0x0  }
0xa4: {  	s25 =	simm.s32 $0x1B8E;
	s24 =	sld [smem:$0x3FFE];
	[sflag:s23] =	ssyncadd.s32 $0xFFFFFFFF  }
0xa5: {  	s26 =	simm.s32 $execute0_lowered;
	[smem:$0x3FD2] =	sst s25  }
0xa6: {  	s5 =	sshll.u32 s26, $0x1;
	_ =	strace $0x8000004F;
	[dreg:$0x1] =	wrdreg $0xFFFFFFFF  }
0xa7: {  	s28 =	simm.s32 $_size_execute0_lowered;
	s3 =	sadd.s32 s3, s5;
	[dreg:$0x0] =	wrdreg $0x0  }
0xa8: {  	s5 =	sshll.u32 s28, $0x1;
	[dreg:$0x2] =	wrdreg s3  }
0xa9: {  	[dreg:$0x3] =	wrdreg s5  }
0xaa: {  	[dreg:$0x4] =	wrdreg $0xC0  }
0xab: {  	_ =	task [dreg:s7], $0x5FFFF  }
0xac: {  	[dreg:$0x1] =	wrdreg $0xFFFFFFFF  }
0xad: {  	[dreg:$0x0] =	wrdreg $0x60  }
0xae: {  	[dreg:$0x2] =	wrdreg s24  }
0xaf: {  	[dreg:$0x3] =	wrdreg s2  }
0xb0: {  	[dreg:$0x4] =	wrdreg $0x41000  }
0xb1: {  	[dreg:$0x5] =	wrdreg $0x9  }
0xb2: {  	_ =	task.clear_ibuf [dreg:s7], $0x6FFFF;
	_ =	strace $0x9000004F  }
0xb3: {  	s29 =	simm.s32 $0x9;
	_ =	strace $0x80000051  }
0xb4: {  	_ =	swait.ge [sflag:s29], $0x1  }
0xb5: {  	[sflag:s29] =	ssyncadd.s32 $0xFFFFFFFF  }
0xb6: {  	_ =	strace $0x90000051  }
0xb7: {  	_ =	sfence  }
0xb8: {  	s30 =	sld [smem:$0x0];
	_ =	sdelay $0x2  }
0xb9: {  	s31 =	sshll.u32 s1, $0xD;
	s1 =	sshrl.u32 s1, $0x2  }
0xba: {  	s3 =	sand.u32 $0x4000, s31;
	s1 =	sadd.s32 s1, s30  }
0xbb: {  	s0 =	sor.u32 s3, s0;
	s1 =	sshll.u32 s1, $0x11  }
0xbc: {  	s0 =	sor.u32 s1, s0  }
0xbd: {  	s0 =	sadd.s32 $0x8F2B, s0  }
0xbe: {  	[sflag:s0] =	ssyncadd.remote.s32 $0x1  }
0xbf: {  	_ =	sfence.sel $0xFFFF  }
0xc0: {  	[dreg:$0x0] =	wrdreg $0xFFFFFFFF;
	(pc) =	sbr.abs _section_cstart, $3  }
0xc1: {  	[dreg:$0x1] =	wrdreg $0xFFFFFFFF  }
0xc2: {  	_ =	task.clear_ibuf [dreg:s7], $0x2FFFF;
	_ =	strace $0x9FFFFFFF  }
0xc3: {  	(tm) =	ssettm $0x7FFFFFFF  }
tec
execute0_lowered:
.L_overlay_start_1:
0x0: {  	(tag) =	ssettag $0x1  }
0x1: {  	s6 =	rddreg [dreg:$0x0];
	s0 =	srdreg.scid  }
0x2: {  	s11 =	rddreg [dreg:$0x1];
	s1 =	stileid.u32  }
0x3: {  	s2 =	rddreg [dreg:$0x2];
	s3 =	simm.s32 $0x0;
	s8 =	smul.u32 $0x14000, s1  }
0x4: {  	s16 =	simm.s32 $0x80;
	s17 =	simm.s32 $0x1;
	s9 =	smul.u32 $0x50000, s1  }
0x5: {  	s5 =	sand.u32 $0x1, s0;
	s0 =	rddreg [dreg:$0x3];
	s15 =	smul.u32 $0x4F0, s1  }
0x6: {  	s20 =	simm.s32 $0x0;
	[smem:$0x7FF] =	sst s3;
	s12 =	smul.u32 $0x4F00, s5  }
0x7: {  	s4 =	sadd.s32 $0xFA00, s6;
	s18 =	sshll.u32 s1, $0x6;
	s7 =	smul.u32 $0x140000, s5  }
0x8: {  	_ =	strace $0x80000050;
	s29 =	ssub.s32 $0x2, s5;
	s18 =	sor.u32 $0x1C02, s18  }
0x9: {  	s30 =	sshrl.u32 s9, $0x2;
	s31 =	sshrl.u32 s29, $0x1;
	s13 =	sadd.s32 s12, s6  }
0xa: {  	s7 =	sadd.s32 s8, s7;
	s5 =	sadd.s32 s30, s2;
	s14 =	ssub.s32 s29, s31  }
0xb: {  	s12 =	sadd.s32 s12, s11;
	s7 =	sshrl.u32 s7, $0x3;
	s8 =	sadd.s32 $0xC000, s5  }
0xc: {  	s9 =	sadd.s32 $0x10000, s5;
	s11 =	smax.u32 s14, $0x1;
	s12 =	sadd.s32 s15, s12  }
0xd: {  	s13 =	sadd.s32 s15, s13;
	s14 =	simm.s32 $0x100;
	s15 =	simm.s32 $0x2  }
0xe: {  	s19 =	sshrl.u32 s5, $0x3;
	s10 =	sadd.s32 s7, s6;
	s6 =	sadd.s32 $0x4000, s5  }
0xf: {  	v0 =	vimm.f32 $0.0e+00;
	s7 =	sadd.s32 $0x8000, s5;
	s13 =	sadd.s32 $0x5C00, s13;
	s10 =	sadd.s32 $0x5FA00, s10  }
.LBB2_1:
0x10: {  	s21 =	sand.u32 $0xFE00, s3  }
0x11: {  	s22 =	sand.u32 $0x70, s3;
	s23 =	sshrl.u32 s21, $0x2  }
0x12: {  	s21 =	simm.s32 $0x40;
	s23 =	sor.u32 s22, s23;
	s22 =	simm.s32 $0x0  }
.LBB2_2:
0x13: {  	p0 =	sne.s32 s21, $0xFFC0  }
0x14: {  	[tilespmem:s23+$0x100] =	vst v0;
	s22 =	sadd.s32 $0x10, s22;
	s23 =	smov.u32 s21;
	s21 =	sadd.s32 $0x40, s21  }
.Ltmp0:
0x15: {  	(pc) =	sbr.rel @p0 .LBB2_2-.Ltmp0, $4  }
0x16: {  	_ = 	snop  }
0x17: {  	s23 =	sand.u32 $0xFE00, s23  }
0x18: {  	s24 =	sand.u32 $0x70, s22;
	s23 =	sshrl.u32 s23, $0x2  }
0x19: {  	s23 =	sor.u32 s24, s23  }
0x1a: {  	[tilespmem:s23+$0x100] =	vst v0  }
0x1b: {  	[spmem:s5] =	stream.linear.scatter [tilespmem:s14], [sflag:$0x2], $0x4000, $0x38;
	[tilespmem:$0x18100] =	vst v63  }
0x1c: {  	_ =	swait.ge [sflag:s15], $0x4000  }
0x1d: {  	[sflag:s15] =	ssyncset.done $0x0  }
0x1e: {  	[sflag:s15] =	ssyncadd.s32 $0xFFFFC000  }
0x1f: {  	[spmem:s6] =	stream.linear.scatter [tilespmem:s14], [sflag:$0x2], $0x4000, $0x38;
	[tilespmem:$0x18100] =	vst v63  }
0x20: {  	_ =	swait.ge [sflag:s15], $0x4000  }
0x21: {  	[sflag:s15] =	ssyncset.done $0x0  }
0x22: {  	[sflag:s15] =	ssyncadd.s32 $0xFFFFC000  }
0x23: {  	[spmem:s7] =	stream.linear.scatter [tilespmem:s14], [sflag:$0x2], $0x4000, $0x38;
	[tilespmem:$0x18100] =	vst v63  }
0x24: {  	_ =	swait.ge [sflag:s15], $0x4000  }
0x25: {  	[sflag:s15] =	ssyncset.done $0x0  }
0x26: {  	[sflag:s15] =	ssyncadd.s32 $0xFFFFC000  }
0x27: {  	[spmem:s8] =	stream.linear.scatter [tilespmem:s14], [sflag:$0x2], $0x4000, $0x38;
	[tilespmem:$0x18100] =	vst v63  }
0x28: {  	_ =	swait.ge [sflag:s15], $0x4000  }
0x29: {  	[sflag:s15] =	ssyncset.done $0x0  }
0x2a: {  	[sflag:s15] =	ssyncadd.s32 $0xFFFFC000  }
0x2b: {  	[spmem:s9] =	stream.linear.scatter [tilespmem:s14], [sflag:$0x2], $0x4000, $0x38;
	[tilespmem:$0x18100] =	vst v63  }
0x2c: {  	_ =	swait.ge [sflag:s15], $0x4000  }
0x2d: {  	[sflag:s15] =	ssyncset.done $0x0  }
0x2e: {  	[sflag:s15] =	ssyncadd.s32 $0xFFFFC000  }
0x2f: {  	s21 =	sadd.s32 $0x0, s13;
	[bflag:$0x0] =	sbarrier.arrive $0xFFFF  }
0x30: {  	[tilespmem:s3], [sflag:$0x2] =	stream.linear.gather [hbm4b:s21+s3], $0x80, $0x38;
	[tilespmem:$0x18100] =	vst v63  }
0x31: {  	_ =	swait.ge [sflag:s15], $0x80  }
0x32: {  	[sflag:s15] =	ssyncset.done $0x0  }
0x33: {  	s31 =	sadd.s32 $0x0, s12;
	[sflag:s15] =	ssyncadd.s32 $0xFFFFFF80  }
0x34: {  	[tilespmem:s16], [sflag:$0x2] =	stream.linear.gather [hbm4b:s31+s3], $0x80, $0x38;
	[tilespmem:$0x18100] =	vst v63  }
0x35: {  	_ =	swait.ge [sflag:s15], $0x80  }
0x36: {  	[sflag:s15] =	ssyncset.done $0x0  }
0x37: {  	[sflag:s15] =	ssyncadd.s32 $0xFFFFFF80  }
0x38: {  	[tilespmem:s14], [sflag:$0x1] =	stream.indirect.gather [hbm4b:s4+s16], $0x80, s3, s16, $0xb8;
	[tilespmem:$0x18100] =	vst v63  }
0x39: {  	_ =	swait.ge [sflag:s17], $0x4000  }
0x3a: {  	[sflag:s17] =	ssyncset.done $0x0  }
0x3b: {  	[sflag:s17] =	ssyncadd.s32 $0xFFFFC000  }
0x3c: {  	[spmem:s2] =	stream.indirect.scatter.add.f32 [tilespmem:s14], [sflag:$0x2], $0x80, s16, s16, $0xb8;
	[tilespmem:$0x18100] =	vst v63  }
0x3d: {  	_ =	swait.ge [sflag:s15], $0x4000  }
0x3e: {  	s22 =	simm.s32 $0x20;
	s21 =	simm.s32 $0x10;
	[sflag:s15] =	ssyncset.done $0x0  }
.LBB2_4:
0x3f: {  	s23 =	sadd.s32 s21, s13  }
0x40: {  	[sflag:s15] =	ssyncadd.s32 $0xFFFFC000;
	s24 =	smov.u32 s22;
	s25 =	sadd.s32 $0x10, s22  }
0x41: {  	[tilespmem:s3], [sflag:$0x2] =	stream.linear.gather [hbm4b:s23+s3], $0x80, $0x38;
	[tilespmem:$0x18100] =	vst v63  }
0x42: {  	p0 =	sne.s32 s22, $0x4E0;
	_ =	swait.ge [sflag:s15], $0x80  }
0x43: {  	[sflag:s15] =	ssyncset.done $0x0  }
0x44: {  	s22 =	sadd.s32 s21, s12;
	s21 =	smov.u32 s24;
	[sflag:s15] =	ssyncadd.s32 $0xFFFFFF80  }
0x45: {  	[tilespmem:s16], [sflag:$0x2] =	stream.linear.gather [hbm4b:s22+s3], $0x80, $0x38;
	[tilespmem:$0x18100] =	vst v63  }
0x46: {  	_ =	swait.ge [sflag:s15], $0x80  }
0x47: {  	[sflag:s15] =	ssyncset.done $0x0  }
0x48: {  	[sflag:s15] =	ssyncadd.s32 $0xFFFFFF80  }
0x49: {  	[tilespmem:s14], [sflag:$0x1] =	stream.indirect.gather [hbm4b:s4+s16], $0x80, s3, s16, $0xb8;
	[tilespmem:$0x18100] =	vst v63  }
0x4a: {  	_ =	swait.ge [sflag:s17], $0x4000  }
.Ltmp1:
0x4b: {  	[sflag:s17] =	ssyncset.done $0x0;
	(pc) =	sbr.rel @p0 .LBB2_4-.Ltmp1, $4  }
0x4c: {  	[sflag:s17] =	ssyncadd.s32 $0xFFFFC000  }
0x4d: {  	[spmem:s2] =	stream.indirect.scatter.add.f32 [tilespmem:s14], [sflag:$0x2], $0x80, s16, s16, $0xb8;
	[tilespmem:$0x18100] =	vst v63  }
0x4e: {  	_ =	swait.ge [sflag:s15], $0x4000  }
0x4f: {  	s22 =	smov.u32 s25;
	[sflag:s15] =	ssyncset.done $0x0  }
0x50: {  	s22 =	sadd.s32 s21, s13;
	[sflag:s15] =	ssyncadd.s32 $0xFFFFC000  }
0x51: {  	[tilespmem:s3], [sflag:$0x2] =	stream.linear.gather [hbm4b:s22+s3], $0x80, $0x38;
	[tilespmem:$0x18100] =	vst v63  }
0x52: {  	_ =	swait.ge [sflag:s15], $0x80  }
0x53: {  	[sflag:s15] =	ssyncset.done $0x0  }
0x54: {  	s31 =	sadd.s32 s21, s12;
	[sflag:s15] =	ssyncadd.s32 $0xFFFFFF80  }
0x55: {  	[tilespmem:s16], [sflag:$0x2] =	stream.linear.gather [hbm4b:s31+s3], $0x80, $0x38;
	[tilespmem:$0x18100] =	vst v63  }
0x56: {  	_ =	swait.ge [sflag:s15], $0x80  }
0x57: {  	[sflag:s15] =	ssyncset.done $0x0  }
0x58: {  	[sflag:s15] =	ssyncadd.s32 $0xFFFFFF80  }
0x59: {  	[tilespmem:s14], [sflag:$0x1] =	stream.indirect.gather [hbm4b:s4+s16], $0x80, s3, s16, $0xb8;
	[tilespmem:$0x18100] =	vst v63  }
0x5a: {  	_ =	swait.ge [sflag:s17], $0x4000  }
0x5b: {  	[sflag:s17] =	ssyncset.done $0x0  }
0x5c: {  	[sflag:s17] =	ssyncadd.s32 $0xFFFFC000  }
0x5d: {  	[spmem:s2] =	stream.indirect.scatter.add.f32 [tilespmem:s14], [sflag:$0x2], $0x80, s16, s16, $0xb8;
	[tilespmem:$0x18100] =	vst v63  }
0x5e: {  	_ =	swait.ge [sflag:s15], $0x4000  }
0x5f: {  	s20 =	sadd.s32 $0x1, s20;
	[sflag:s15] =	ssyncset.done $0x0  }
0x60: {  	p0 =	sne.s32 s20, s11;
	[sflag:s15] =	ssyncadd.s32 $0xFFFFC000  }
.Ltmp2:
0x61: {  	[bflag:$0x0] =	sbarrier.arrive $0xFFFF;
	(pc) =	sbr.rel @p0 .LBB2_1-.Ltmp2, $4  }
0x62: {  	[hbm:s10], [sflag:s18] =	dma.local [spmem:s19], $0x2800  }
0x63: {  	_ =	swait.ge [sflag:s15], $0x2800  }
0x64: {  	[sflag:s15] =	ssyncset.done $0x0  }
0x65: {  	[sflag:s15] =	ssyncadd.s32 $0xFFFFD800  }
0x66: {  	_ =	sfence.sel $0x180000  }
0x67: {  	[bflag:$0x0] =	sbarrier.arrive $0xFFFF  }
0x68: {  	p0 =	sne.s32 s1, $0x0;
	_ =	strace $0x90000050  }
0x69: {  	s0 =	sadd.s32 @!p0 $0x100000, s0;
	[bflag:$0x2] =	sbarrier.arrive $0xFFFF  }
0x6a: {  	[sflag:s0] =	ssyncadd.tile.s32 @!p0 $0x1;
	_ =	shalt  }
.Lfunc_end2:
_tile_overlayer_lowered:
.L_overlay_start_2:
0x6b: {  	(tag) =	ssettag $0x2  }
0x6c: {  	s0 =	rddreg [dreg:$0x0];
	s2 =	stileid.u32  }
0x6d: {  	s1 =	rddreg [dreg:$0x1];
	p0 =	sne.s32 s2, $0x0  }
0x6e: {  	s3 =	rddreg [dreg:$0x2];
	[bflag:$0x3] =	sbarrier.arrive $0xFFFF;
	s2 =	simm.s32 @!p0 $0x1C02  }
0x6f: {  	[timem:s3], [sflag:s2] =	dma.local @!p0 [hbm:s0], s1  }
0x70: {  	s0 =	simm.s32 @!p0 $0x2  }
0x71: {  	_ =	swait.ge @!p0 [sflag:s0], s1  }
0x72: {  	s1 =	ssub.s32 @!p0 $0x0, s1;
	[sflag:s0] =	ssyncset.done @!p0 $0x0  }
0x73: {  	[sflag:s0] =	ssyncadd.s32 @!p0 s1  }
0x74: {  	[bflag:$0x3] =	sbarrier.arrive $0xFFFF  }
0x75: {  	_ =	shalt  }

</sc_bundles>
